<compile_context>
chip_gen: v7x
topology: tpu7x:2x2x1
jax: 0.10.2.dev20260603
libtpu: 0.0.44.dev20260713+nightly
codegen_flags: <defaults>
</compile_context>

<pallas_src>
import functools

import jax
import jax.numpy as jnp
from jax import lax
from jax.experimental import pallas as pl
from jax.experimental.pallas import tpu as pltpu
from jax.experimental.pallas import tpu_sc as plsc

P = 2097152
NC = 2
NS = 16
NW = NC * NS
L = 16
NB = 1024
U_CLIP = 8.0
SCALE = NB / (2.0 * U_CLIP)
PW = P // NW
CHUNK = 16384
NCHUNK = PW // CHUNK
NVREG = CHUNK // L

NBR = 8
NBC = 128
ROWS = 2 * NBR
CWORDS = 2 * NB * L


def _hist_body(x_hbm, t_hbm, counts_out,
               xb0, tb0, xb1, tb1, counts_v, cred_v,
               sx0, st0, sx1, st1):
    wid = lax.axis_index("s") * NC + lax.axis_index("c")
    zero16 = jnp.zeros((L,), jnp.float32)
    xbufs, tbufs = (xb0, xb1), (tb0, tb1)
    sems = ((sx0, st0), (sx1, st1))

    def start(c):
        p = c % 2
        base = wid * PW + c * CHUNK
        hx = pltpu.async_copy(x_hbm.at[pl.ds(base, CHUNK)], xbufs[p], sems[p][0])
        ht = pltpu.async_copy(t_hbm.at[pl.ds(base, CHUNK)], tbufs[p], sems[p][1])
        return hx, ht

    pending = start(0)

    @plsc.parallel_loop(0, CWORDS // L, 1, unroll=8)
    def _(i):
        counts_v[pl.ds(i * L, L)] = zero16

    lane = lax.iota(jnp.int32, L)
    ones16 = jnp.ones((L,), jnp.float32)

    for c in range(NCHUNK):
        nxt = start(c + 1) if c + 1 < NCHUNK else None
        pending[0].wait()
        pending[1].wait()
        xbuf, tbuf = xbufs[c % 2], tbufs[c % 2]

        @plsc.parallel_loop(0, NVREG, 1, unroll=8)
        def _(j):
            x = xbuf[pl.ds(j * L, L)]
            t = tbuf[pl.ds(j * L, L)]
            kf = x * SCALE + (0.5 * NB)
            kf = jnp.minimum(jnp.maximum(kf, 0.0), float(NB - 1))
            k = kf.astype(jnp.int32)
            cidx = (lane * (2 * NB) + t * NB) | k
            plsc.addupdate_scatter(counts_v, [cidx], ones16)

        pending = nxt

    @plsc.parallel_loop(0, ROWS * (NBC // L), 1, unroll=2)
    def _(i):
        o = i // (NBC // L)
        j = i % (NBC // L)
        acc = counts_v[pl.ds(o * NBC + j * L, L)]
        for ln in range(1, L):
            acc = acc + counts_v[pl.ds(ln * (2 * NB) + o * NBC + j * L, L)]
        cred_v[o, pl.ds(j * L, L)] = acc

    pltpu.sync_copy(cred_v, counts_out.at[wid])


@functools.cache
def _hist_kernel():
    return pl.kernel(
        _hist_body,
        out_type=jax.ShapeDtypeStruct((NW, ROWS, NBC), jnp.float32),
        mesh=plsc.VectorSubcoreMesh(
            core_axis_name="c", subcore_axis_name="s",
            num_cores=NC, num_subcores=NS,
        ),
        scratch_types=(
            pltpu.VMEM((CHUNK,), jnp.float32),
            pltpu.VMEM((CHUNK,), jnp.int32),
            pltpu.VMEM((CHUNK,), jnp.float32),
            pltpu.VMEM((CHUNK,), jnp.int32),
            pltpu.VMEM((CWORDS,), jnp.float32),
            pltpu.VMEM((ROWS, NBC), jnp.float32),
            pltpu.SemaphoreType.DMA,
            pltpu.SemaphoreType.DMA,
            pltpu.SemaphoreType.DMA,
            pltpu.SemaphoreType.DMA,
        ),
        compiler_params=pltpu.CompilerParams(needs_layout_passes=False),
    )


def _finalize_body(c_ref, o_ref):
    f32 = jnp.float32
    csum = jnp.sum(c_ref[...], axis=0)
    m0s = csum[0:NBR, :]
    m1 = csum[NBR:ROWS, :]
    ir = lax.broadcasted_iota(jnp.int32, (NBR, NBR), 0)
    jr = lax.broadcasted_iota(jnp.int32, (NBR, NBR), 1)
    Jr = (ir + jr == NBR - 1).astype(f32)
    ic = lax.broadcasted_iota(jnp.int32, (NBC, NBC), 0)
    jc = lax.broadcasted_iota(jnp.int32, (NBC, NBC), 1)
    Jc = (ic + jc == NBC - 1).astype(f32)
    m0 = jnp.dot(Jr, jnp.dot(m0s, Jc, preferred_element_type=f32),
                 preferred_element_type=f32)
    m = m0 + m1
    G = jnp.sum(m1)

    iu = lax.broadcasted_iota(jnp.int32, (NBC, NBC), 0)
    ju = lax.broadcasted_iota(jnp.int32, (NBC, NBC), 1)
    Ut = (iu <= ju).astype(f32)
    il = lax.broadcasted_iota(jnp.int32, (NBR, NBR), 0)
    jl = lax.broadcasted_iota(jnp.int32, (NBR, NBR), 1)
    Ls = (jl < il).astype(f32)

    rowcum_n = jnp.dot(m, Ut, preferred_element_type=f32)
    rowcum_f = jnp.dot(m1, Ut, preferred_element_type=f32)
    prev_n = jnp.dot(Ls, rowcum_n[:, NBC - 1:NBC], preferred_element_type=f32)
    prev_f = jnp.dot(Ls, rowcum_f[:, NBC - 1:NBC], preferred_element_type=f32)
    cum_n = rowcum_n + prev_n
    cum_f = rowcum_f + prev_f

    j_end = 1.0 - (G - cum_f) / (G + cum_n - cum_f)
    e_n = cum_n - m
    e_f = cum_f - m1
    j_start = 1.0 - (G - e_f) / (G + e_n - e_f)

    kr = lax.broadcasted_iota(jnp.int32, (NBR, NBC), 0)
    kc = lax.broadcasted_iota(jnp.int32, (NBR, NBC), 1)
    u_mid = ((kr * NBC + kc).astype(f32) + 0.5) * (1.0 / SCALE) - U_CLIP
    mid_e = 1.0 / (1.0 + jnp.exp(u_mid))
    o_ref[0, 0] = jnp.sum(mid_e * (j_end - j_start))


_finalize_kernel = pl.pallas_call(
    _finalize_body,
    out_shape=jax.ShapeDtypeStruct((1, 1), jnp.float32),
    out_specs=pl.BlockSpec(memory_space=pltpu.SMEM),
)


def kernel(outputs, targets):
    counts_all = _hist_kernel()(outputs, targets)
    loss = _finalize_kernel(counts_all)
    return loss[0, 0]

# --- scband reference (transcript-rebuilt; emitter-appended) ---
"""Pipeline reference for scband-lovasz-sigmoid-loss-82411832476256 (READ-ONLY COPY).

The authoritative reference and input builder live on the scoring server;
editing this copy changes nothing except your own understanding.
"""

import jax, jax.numpy as jnp
import numpy as np


def setup_inputs(seed: int = 0) -> dict:
    key = jax.random.key(seed)
    k1, k2 = jax.random.split(key)
    P = 2097152
    outputs = jax.random.normal(k1, (P,), dtype=jnp.float32)
    targets = jax.random.randint(k2, (P,), 0, 2, dtype=jnp.int32)
    return {"outputs": outputs, "targets": targets}


def lovasz_grad(gt_sorted):
    # gt_sorted: float32[P] of 0/1 values, sorted by descending error
    gts = jnp.sum(gt_sorted)
    intersection = gts - jnp.cumsum(gt_sorted)
    union = gts + jnp.cumsum(1.0 - gt_sorted)
    jaccard = 1.0 - intersection / union
    # jaccard[1:] = jaccard[1:] - jaccard[:-1]
    jaccard = jnp.concatenate([jaccard[:1], jaccard[1:] - jaccard[:-1]])
    return jaccard


def reference(outputs, targets):
    # ignore=None, so no masking
    probs = jax.nn.sigmoid(outputs)
    fg = (targets == 1).astype(jnp.float32)
    errors = jnp.abs(fg - probs)
    # descending sort of errors; perm is detached in the torch original,
    # and argsort indices carry no gradient in jax either
    order = jnp.argsort(-errors)
    errors_sorted = errors[order]
    fg_sorted = fg[order]
    grad = lovasz_grad(fg_sorted)
    loss = jnp.dot(errors_sorted, grad)
    return loss

if __name__ == "__main__":
    import jax
    _d = setup_inputs()
    print(jax.jit(kernel)(*tuple(_d.values())))

</pallas_src>

<mosaic_0001>
#map = affine_map<(d0, d1) -> (0)>
#map1 = affine_map<(d0, d1) -> (0, 0, 0)>
module attributes {stable_mosaic.version = 14 : i64} {
  func.func @_hist_body(%arg0: i32, %arg1: i32, %arg2: memref<2097152xf32, #tpu.memory_space<hbm>>, %arg3: memref<2097152xi32, #tpu.memory_space<hbm>>, %arg4: memref<32x16x128xf32, #tpu.memory_space<hbm>>, %arg5: memref<16384xf32, #tpu.memory_space<vmem>>, %arg6: memref<16384xi32, #tpu.memory_space<vmem>>, %arg7: memref<16384xf32, #tpu.memory_space<vmem>>, %arg8: memref<16384xi32, #tpu.memory_space<vmem>>, %arg9: memref<32768xf32, #tpu.memory_space<vmem>>, %arg10: memref<16x128xf32, #tpu.memory_space<vmem>>, %arg11: memref<!tpu.dma_semaphore, #tpu.memory_space<semaphore_mem>>, %arg12: memref<!tpu.dma_semaphore, #tpu.memory_space<semaphore_mem>>, %arg13: memref<!tpu.dma_semaphore, #tpu.memory_space<semaphore_mem>>, %arg14: memref<!tpu.dma_semaphore, #tpu.memory_space<semaphore_mem>>) attributes {dimension_semantics = [#tpu.dimension_semantics<core_parallel>, #tpu.dimension_semantics<subcore_parallel>], iteration_bounds = array<i64: 2, 16>, scalar_prefetch = 0 : i64, scratch_operands = 10 : i64, tpu.core_type = #tpu.core_type<sc_vector_subcore>, window_params = [{transform_indices = #map}, {transform_indices = #map}, {transform_indices = #map1}]} {
    %mul3A = arith.constant 2 : i32
    %mul3A_0 = arith.muli %arg1, %mul3A : i32
    %add3A = arith.addi %mul3A_0, %arg0 : i32
    %broadcast_in_dim3A = arith.constant 0.000000e+00 : f32
    %broadcast_in_dim3A_1 = vector.broadcast %broadcast_in_dim3A : f32 to vector<16xf32>
    %mul3A_2 = arith.constant 65536 : i32
    %mul3A_3 = arith.muli %add3A, %mul3A_2 : i32
    %add3A_4 = arith.constant 0 : i32
    %add3A_5 = arith.addi %mul3A_3, %add3A_4 : i32
    %dma_start3A = tpu.memref_slice %arg2[%add3A_5] : memref<2097152xf32, #tpu.memory_space<hbm>> -> memref<16384xf32, #tpu.memory_space<hbm>>
    %dma_start3A_6 = tpu.memref_slice %arg2[%add3A_5] : memref<2097152xf32, #tpu.memory_space<hbm>> -> memref<16384xf32, #tpu.memory_space<hbm>>
    tpu.enqueue_dma source(%dma_start3A_6 : memref<16384xf32, #tpu.memory_space<hbm>>) target(%arg5 : memref<16384xf32, #tpu.memory_space<vmem>>) target_semaphore(%arg11 : memref<!tpu.dma_semaphore, #tpu.memory_space<semaphore_mem>>)
    %dma_start3A_7 = tpu.memref_slice %arg3[%add3A_5] : memref<2097152xi32, #tpu.memory_space<hbm>> -> memref<16384xi32, #tpu.memory_space<hbm>>
    %dma_start3A_8 = tpu.memref_slice %arg3[%add3A_5] : memref<2097152xi32, #tpu.memory_space<hbm>> -> memref<16384xi32, #tpu.memory_space<hbm>>
    tpu.enqueue_dma source(%dma_start3A_8 : memref<16384xi32, #tpu.memory_space<hbm>>) target(%arg6 : memref<16384xi32, #tpu.memory_space<vmem>>) target_semaphore(%arg12 : memref<!tpu.dma_semaphore, #tpu.memory_space<semaphore_mem>>)
    %parallel_loop3A = arith.constant 0 : i32
    %parallel_loop3A_9 = arith.constant 2048 : i32
    %parallel_loop3A_10 = arith.constant 1 : i32
    scf.for %parallel_loop3A_67 = %parallel_loop3A to %parallel_loop3A_9 step %parallel_loop3A_10  : i32 {
      %parallel_loop3A_68 = arith.constant 16 : i32
      %parallel_loop3A_69 = arith.muli %parallel_loop3A_67, %parallel_loop3A_68 : i32
      %parallel_loop3A_70 = arith.index_cast %parallel_loop3A_69 : i32 to index
      %parallel_loop3A_71 = tpu.vector_load %arg9[%parallel_loop3A_70] {strides = array<i32>} : memref<32768xf32, #tpu.memory_space<vmem>>, vector<16xf32>,
      tpu.vector_store %arg9[%parallel_loop3A_70], %broadcast_in_dim3A_1 {strides = array<i32>} : memref<32768xf32, #tpu.memory_space<vmem>>, vector<16xf32>,
    } {sc.loop_unroll_factor = 8 : i64, sc.parallel_access}
    %iota3A = tpu.iota {dimensions = array<i32: 0>} : vector<16xi32>
    %broadcast_in_dim3A_11 = arith.constant 1.000000e+00 : f32
    %broadcast_in_dim3A_12 = vector.broadcast %broadcast_in_dim3A_11 : f32 to vector<16xf32>
    %mul3A_13 = arith.constant 65536 : i32
    %mul3A_14 = arith.muli %add3A, %mul3A_13 : i32
    %add3A_15 = arith.constant 16384 : i32
    %add3A_16 = arith.addi %mul3A_14, %add3A_15 : i32
    %dma_start3A_17 = tpu.memref_slice %arg2[%add3A_16] : memref<2097152xf32, #tpu.memory_space<hbm>> -> memref<16384xf32, #tpu.memory_space<hbm>>
    %dma_start3A_18 = tpu.memref_slice %arg2[%add3A_16] : memref<2097152xf32, #tpu.memory_space<hbm>> -> memref<16384xf32, #tpu.memory_space<hbm>>
    tpu.enqueue_dma source(%dma_start3A_18 : memref<16384xf32, #tpu.memory_space<hbm>>) target(%arg7 : memref<16384xf32, #tpu.memory_space<vmem>>) target_semaphore(%arg13 : memref<!tpu.dma_semaphore, #tpu.memory_space<semaphore_mem>>)
    %dma_start3A_19 = tpu.memref_slice %arg3[%add3A_16] : memref<2097152xi32, #tpu.memory_space<hbm>> -> memref<16384xi32, #tpu.memory_space<hbm>>
    %dma_start3A_20 = tpu.memref_slice %arg3[%add3A_16] : memref<2097152xi32, #tpu.memory_space<hbm>> -> memref<16384xi32, #tpu.memory_space<hbm>>
    tpu.enqueue_dma source(%dma_start3A_20 : memref<16384xi32, #tpu.memory_space<hbm>>) target(%arg8 : memref<16384xi32, #tpu.memory_space<vmem>>) target_semaphore(%arg14 : memref<!tpu.dma_semaphore, #tpu.memory_space<semaphore_mem>>)
    %dma_wait3A = tpu.memref_slice %arg2[%add3A_5] : memref<2097152xf32, #tpu.memory_space<hbm>> -> memref<16384xf32, #tpu.memory_space<hbm>>
    %dma_wait3A_21 = tpu.memref_slice %arg2[%add3A_5] : memref<2097152xf32, #tpu.memory_space<hbm>> -> memref<16384xf32, #tpu.memory_space<hbm>>
    tpu.wait_dma2 semaphore(%arg11 : memref<!tpu.dma_semaphore, #tpu.memory_space<semaphore_mem>>) src(%dma_wait3A_21 : memref<16384xf32, #tpu.memory_space<hbm>>) dst(%arg5 : memref<16384xf32, #tpu.memory_space<vmem>>)
    %dma_wait3A_22 = tpu.memref_slice %arg3[%add3A_5] : memref<2097152xi32, #tpu.memory_space<hbm>> -> memref<16384xi32, #tpu.memory_space<hbm>>
    %dma_wait3A_23 = tpu.memref_slice %arg3[%add3A_5] : memref<2097152xi32, #tpu.memory_space<hbm>> -> memref<16384xi32, #tpu.memory_space<hbm>>
    tpu.wait_dma2 semaphore(%arg12 : memref<!tpu.dma_semaphore, #tpu.memory_space<semaphore_mem>>) src(%dma_wait3A_23 : memref<16384xi32, #tpu.memory_space<hbm>>) dst(%arg6 : memref<16384xi32, #tpu.memory_space<vmem>>)
    %parallel_loop3A_24 = arith.constant 0 : i32
    %parallel_loop3A_25 = arith.constant 1024 : i32
    %parallel_loop3A_26 = arith.constant 1 : i32
    scf.for %parallel_loop3A_67 = %parallel_loop3A_24 to %parallel_loop3A_25 step %parallel_loop3A_26  : i32 {
      %parallel_loop3A_68 = arith.constant 16 : i32
      %parallel_loop3A_69 = arith.muli %parallel_loop3A_67, %parallel_loop3A_68 : i32
      %parallel_loop3A_70 = arith.index_cast %parallel_loop3A_69 : i32 to index
      %parallel_loop3A_71 = tpu.vector_load %arg5[%parallel_loop3A_70] {strides = array<i32>} : memref<16384xf32, #tpu.memory_space<vmem>>, vector<16xf32>,
      %parallel_loop3A_72 = arith.constant 16 : i32
      %parallel_loop3A_73 = arith.muli %parallel_loop3A_67, %parallel_loop3A_72 : i32
      %parallel_loop3A_74 = arith.index_cast %parallel_loop3A_73 : i32 to index
      %parallel_loop3A_75 = tpu.vector_load %arg6[%parallel_loop3A_74] {strides = array<i32>} : memref<16384xi32, #tpu.memory_space<vmem>>, vector<16xi32>,
      %parallel_loop3A_76 = arith.constant 6.400000e+01 : f32
      %parallel_loop3A_77 = vector.broadcast %parallel_loop3A_76 : f32 to vector<16xf32>
      %parallel_loop3A_78 = arith.mulf %parallel_loop3A_71, %parallel_loop3A_77 : vector<16xf32>
      %parallel_loop3A_79 = arith.constant 5.120000e+02 : f32
      %parallel_loop3A_80 = vector.broadcast %parallel_loop3A_79 : f32 to vector<16xf32>
      %parallel_loop3A_81 = arith.addf %parallel_loop3A_78, %parallel_loop3A_80 : vector<16xf32>
      %parallel_loop3A_82 = arith.constant 0.000000e+00 : f32
      %parallel_loop3A_83 = vector.broadcast %parallel_loop3A_82 : f32 to vector<16xf32>
      %parallel_loop3A_84 = arith.maximumf %parallel_loop3A_81, %parallel_loop3A_83 : vector<16xf32>
      %parallel_loop3A_85 = arith.constant 1.023000e+03 : f32
      %parallel_loop3A_86 = vector.broadcast %parallel_loop3A_85 : f32 to vector<16xf32>
      %parallel_loop3A_87 = arith.minimumf %parallel_loop3A_84, %parallel_loop3A_86 : vector<16xf32>
      %parallel_loop3A_88 = arith.fptosi %parallel_loop3A_87 : vector<16xf32> to vector<16xi32>
      %parallel_loop3A_89 = arith.constant 2048 : i32
      %parallel_loop3A_90 = vector.broadcast %parallel_loop3A_89 : i32 to vector<16xi32>
      %parallel_loop3A_91 = arith.muli %iota3A, %parallel_loop3A_90 : vector<16xi32>
      %parallel_loop3A_92 = arith.constant 1024 : i32
      %parallel_loop3A_93 = vector.broadcast %parallel_loop3A_92 : i32 to vector<16xi32>
      %parallel_loop3A_94 = arith.muli %parallel_loop3A_75, %parallel_loop3A_93 : vector<16xi32>
      %parallel_loop3A_95 = arith.addi %parallel_loop3A_91, %parallel_loop3A_94 : vector<16xi32>
      %parallel_loop3A_96 = arith.ori %parallel_loop3A_95, %parallel_loop3A_88 : vector<16xi32>
      tpu.vector_store_idx %arg9[%parallel_loop3A_96], %broadcast_in_dim3A_12 {add = true} : memref<32768xf32, #tpu.memory_space<vmem>>[vector<16xi32>], vector<16xf32>,
    } {sc.loop_unroll_factor = 8 : i64, sc.parallel_access}
    %mul3A_27 = arith.constant 65536 : i32
    %mul3A_28 = arith.muli %add3A, %mul3A_27 : i32
    %add3A_29 = arith.constant 32768 : i32
    %add3A_30 = arith.addi %mul3A_28, %add3A_29 : i32
    %dma_start3A_31 = tpu.memref_slice %arg2[%add3A_30] : memref<2097152xf32, #tpu.memory_space<hbm>> -> memref<16384xf32, #tpu.memory_space<hbm>>
    %dma_start3A_32 = tpu.memref_slice %arg2[%add3A_30] : memref<2097152xf32, #tpu.memory_space<hbm>> -> memref<16384xf32, #tpu.memory_space<hbm>>
    tpu.enqueue_dma source(%dma_start3A_32 : memref<16384xf32, #tpu.memory_space<hbm>>) target(%arg5 : memref<16384xf32, #tpu.memory_space<vmem>>) target_semaphore(%arg11 : memref<!tpu.dma_semaphore, #tpu.memory_space<semaphore_mem>>)
    %dma_start3A_33 = tpu.memref_slice %arg3[%add3A_30] : memref<2097152xi32, #tpu.memory_space<hbm>> -> memref<16384xi32, #tpu.memory_space<hbm>>
    %dma_start3A_34 = tpu.memref_slice %arg3[%add3A_30] : memref<2097152xi32, #tpu.memory_space<hbm>> -> memref<16384xi32, #tpu.memory_space<hbm>>
    tpu.enqueue_dma source(%dma_start3A_34 : memref<16384xi32, #tpu.memory_space<hbm>>) target(%arg6 : memref<16384xi32, #tpu.memory_space<vmem>>) target_semaphore(%arg12 : memref<!tpu.dma_semaphore, #tpu.memory_space<semaphore_mem>>)
    %dma_wait3A_35 = tpu.memref_slice %arg2[%add3A_16] : memref<2097152xf32, #tpu.memory_space<hbm>> -> memref<16384xf32, #tpu.memory_space<hbm>>
    %dma_wait3A_36 = tpu.memref_slice %arg2[%add3A_16] : memref<2097152xf32, #tpu.memory_space<hbm>> -> memref<16384xf32, #tpu.memory_space<hbm>>
    tpu.wait_dma2 semaphore(%arg13 : memref<!tpu.dma_semaphore, #tpu.memory_space<semaphore_mem>>) src(%dma_wait3A_36 : memref<16384xf32, #tpu.memory_space<hbm>>) dst(%arg7 : memref<16384xf32, #tpu.memory_space<vmem>>)
    %dma_wait3A_37 = tpu.memref_slice %arg3[%add3A_16] : memref<2097152xi32, #tpu.memory_space<hbm>> -> memref<16384xi32, #tpu.memory_space<hbm>>
    %dma_wait3A_38 = tpu.memref_slice %arg3[%add3A_16] : memref<2097152xi32, #tpu.memory_space<hbm>> -> memref<16384xi32, #tpu.memory_space<hbm>>
    tpu.wait_dma2 semaphore(%arg14 : memref<!tpu.dma_semaphore, #tpu.memory_space<semaphore_mem>>) src(%dma_wait3A_38 : memref<16384xi32, #tpu.memory_space<hbm>>) dst(%arg8 : memref<16384xi32, #tpu.memory_space<vmem>>)
    %parallel_loop3A_39 = arith.constant 0 : i32
    %parallel_loop3A_40 = arith.constant 1024 : i32
    %parallel_loop3A_41 = arith.constant 1 : i32
    scf.for %parallel_loop3A_67 = %parallel_loop3A_39 to %parallel_loop3A_40 step %parallel_loop3A_41  : i32 {
      %parallel_loop3A_68 = arith.constant 16 : i32
      %parallel_loop3A_69 = arith.muli %parallel_loop3A_67, %parallel_loop3A_68 : i32
      %parallel_loop3A_70 = arith.index_cast %parallel_loop3A_69 : i32 to index
      %parallel_loop3A_71 = tpu.vector_load %arg7[%parallel_loop3A_70] {strides = array<i32>} : memref<16384xf32, #tpu.memory_space<vmem>>, vector<16xf32>,
      %parallel_loop3A_72 = arith.constant 16 : i32
      %parallel_loop3A_73 = arith.muli %parallel_loop3A_67, %parallel_loop3A_72 : i32
      %parallel_loop3A_74 = arith.index_cast %parallel_loop3A_73 : i32 to index
      %parallel_loop3A_75 = tpu.vector_load %arg8[%parallel_loop3A_74] {strides = array<i32>} : memref<16384xi32, #tpu.memory_space<vmem>>, vector<16xi32>,
      %parallel_loop3A_76 = arith.constant 6.400000e+01 : f32
      %parallel_loop3A_77 = vector.broadcast %parallel_loop3A_76 : f32 to vector<16xf32>
      %parallel_loop3A_78 = arith.mulf %parallel_loop3A_71, %parallel_loop3A_77 : vector<16xf32>
      %parallel_loop3A_79 = arith.constant 5.120000e+02 : f32
      %parallel_loop3A_80 = vector.broadcast %parallel_loop3A_79 : f32 to vector<16xf32>
      %parallel_loop3A_81 = arith.addf %parallel_loop3A_78, %parallel_loop3A_80 : vector<16xf32>
      %parallel_loop3A_82 = arith.constant 0.000000e+00 : f32
      %parallel_loop3A_83 = vector.broadcast %parallel_loop3A_82 : f32 to vector<16xf32>
      %parallel_loop3A_84 = arith.maximumf %parallel_loop3A_81, %parallel_loop3A_83 : vector<16xf32>
      %parallel_loop3A_85 = arith.constant 1.023000e+03 : f32
      %parallel_loop3A_86 = vector.broadcast %parallel_loop3A_85 : f32 to vector<16xf32>
      %parallel_loop3A_87 = arith.minimumf %parallel_loop3A_84, %parallel_loop3A_86 : vector<16xf32>
      %parallel_loop3A_88 = arith.fptosi %parallel_loop3A_87 : vector<16xf32> to vector<16xi32>
      %parallel_loop3A_89 = arith.constant 2048 : i32
      %parallel_loop3A_90 = vector.broadcast %parallel_loop3A_89 : i32 to vector<16xi32>
      %parallel_loop3A_91 = arith.muli %iota3A, %parallel_loop3A_90 : vector<16xi32>
      %parallel_loop3A_92 = arith.constant 1024 : i32
      %parallel_loop3A_93 = vector.broadcast %parallel_loop3A_92 : i32 to vector<16xi32>
      %parallel_loop3A_94 = arith.muli %parallel_loop3A_75, %parallel_loop3A_93 : vector<16xi32>
      %parallel_loop3A_95 = arith.addi %parallel_loop3A_91, %parallel_loop3A_94 : vector<16xi32>
      %parallel_loop3A_96 = arith.ori %parallel_loop3A_95, %parallel_loop3A_88 : vector<16xi32>
      tpu.vector_store_idx %arg9[%parallel_loop3A_96], %broadcast_in_dim3A_12 {add = true} : memref<32768xf32, #tpu.memory_space<vmem>>[vector<16xi32>], vector<16xf32>,
    } {sc.loop_unroll_factor = 8 : i64, sc.parallel_access}
    %mul3A_42 = arith.constant 65536 : i32
    %mul3A_43 = arith.muli %add3A, %mul3A_42 : i32
    %add3A_44 = arith.constant 49152 : i32
    %add3A_45 = arith.addi %mul3A_43, %add3A_44 : i32
    %dma_start3A_46 = tpu.memref_slice %arg2[%add3A_45] : memref<2097152xf32, #tpu.memory_space<hbm>> -> memref<16384xf32, #tpu.memory_space<hbm>>
    %dma_start3A_47 = tpu.memref_slice %arg2[%add3A_45] : memref<2097152xf32, #tpu.memory_space<hbm>> -> memref<16384xf32, #tpu.memory_space<hbm>>
    tpu.enqueue_dma source(%dma_start3A_47 : memref<16384xf32, #tpu.memory_space<hbm>>) target(%arg7 : memref<16384xf32, #tpu.memory_space<vmem>>) target_semaphore(%arg13 : memref<!tpu.dma_semaphore, #tpu.memory_space<semaphore_mem>>)
    %dma_start3A_48 = tpu.memref_slice %arg3[%add3A_45] : memref<2097152xi32, #tpu.memory_space<hbm>> -> memref<16384xi32, #tpu.memory_space<hbm>>
    %dma_start3A_49 = tpu.memref_slice %arg3[%add3A_45] : memref<2097152xi32, #tpu.memory_space<hbm>> -> memref<16384xi32, #tpu.memory_space<hbm>>
    tpu.enqueue_dma source(%dma_start3A_49 : memref<16384xi32, #tpu.memory_space<hbm>>) target(%arg8 : memref<16384xi32, #tpu.memory_space<vmem>>) target_semaphore(%arg14 : memref<!tpu.dma_semaphore, #tpu.memory_space<semaphore_mem>>)
    %dma_wait3A_50 = tpu.memref_slice %arg2[%add3A_30] : memref<2097152xf32, #tpu.memory_space<hbm>> -> memref<16384xf32, #tpu.memory_space<hbm>>
    %dma_wait3A_51 = tpu.memref_slice %arg2[%add3A_30] : memref<2097152xf32, #tpu.memory_space<hbm>> -> memref<16384xf32, #tpu.memory_space<hbm>>
    tpu.wait_dma2 semaphore(%arg11 : memref<!tpu.dma_semaphore, #tpu.memory_space<semaphore_mem>>) src(%dma_wait3A_51 : memref<16384xf32, #tpu.memory_space<hbm>>) dst(%arg5 : memref<16384xf32, #tpu.memory_space<vmem>>)
    %dma_wait3A_52 = tpu.memref_slice %arg3[%add3A_30] : memref<2097152xi32, #tpu.memory_space<hbm>> -> memref<16384xi32, #tpu.memory_space<hbm>>
    %dma_wait3A_53 = tpu.memref_slice %arg3[%add3A_30] : memref<2097152xi32, #tpu.memory_space<hbm>> -> memref<16384xi32, #tpu.memory_space<hbm>>
    tpu.wait_dma2 semaphore(%arg12 : memref<!tpu.dma_semaphore, #tpu.memory_space<semaphore_mem>>) src(%dma_wait3A_53 : memref<16384xi32, #tpu.memory_space<hbm>>) dst(%arg6 : memref<16384xi32, #tpu.memory_space<vmem>>)
    %parallel_loop3A_54 = arith.constant 0 : i32
    %parallel_loop3A_55 = arith.constant 1024 : i32
    %parallel_loop3A_56 = arith.constant 1 : i32
    scf.for %parallel_loop3A_67 = %parallel_loop3A_54 to %parallel_loop3A_55 step %parallel_loop3A_56  : i32 {
      %parallel_loop3A_68 = arith.constant 16 : i32
      %parallel_loop3A_69 = arith.muli %parallel_loop3A_67, %parallel_loop3A_68 : i32
      %parallel_loop3A_70 = arith.index_cast %parallel_loop3A_69 : i32 to index
      %parallel_loop3A_71 = tpu.vector_load %arg5[%parallel_loop3A_70] {strides = array<i32>} : memref<16384xf32, #tpu.memory_space<vmem>>, vector<16xf32>,
      %parallel_loop3A_72 = arith.constant 16 : i32
      %parallel_loop3A_73 = arith.muli %parallel_loop3A_67, %parallel_loop3A_72 : i32
      %parallel_loop3A_74 = arith.index_cast %parallel_loop3A_73 : i32 to index
      %parallel_loop3A_75 = tpu.vector_load %arg6[%parallel_loop3A_74] {strides = array<i32>} : memref<16384xi32, #tpu.memory_space<vmem>>, vector<16xi32>,
      %parallel_loop3A_76 = arith.constant 6.400000e+01 : f32
      %parallel_loop3A_77 = vector.broadcast %parallel_loop3A_76 : f32 to vector<16xf32>
      %parallel_loop3A_78 = arith.mulf %parallel_loop3A_71, %parallel_loop3A_77 : vector<16xf32>
      %parallel_loop3A_79 = arith.constant 5.120000e+02 : f32
      %parallel_loop3A_80 = vector.broadcast %parallel_loop3A_79 : f32 to vector<16xf32>
      %parallel_loop3A_81 = arith.addf %parallel_loop3A_78, %parallel_loop3A_80 : vector<16xf32>
      %parallel_loop3A_82 = arith.constant 0.000000e+00 : f32
      %parallel_loop3A_83 = vector.broadcast %parallel_loop3A_82 : f32 to vector<16xf32>
      %parallel_loop3A_84 = arith.maximumf %parallel_loop3A_81, %parallel_loop3A_83 : vector<16xf32>
      %parallel_loop3A_85 = arith.constant 1.023000e+03 : f32
      %parallel_loop3A_86 = vector.broadcast %parallel_loop3A_85 : f32 to vector<16xf32>
      %parallel_loop3A_87 = arith.minimumf %parallel_loop3A_84, %parallel_loop3A_86 : vector<16xf32>
      %parallel_loop3A_88 = arith.fptosi %parallel_loop3A_87 : vector<16xf32> to vector<16xi32>
      %parallel_loop3A_89 = arith.constant 2048 : i32
      %parallel_loop3A_90 = vector.broadcast %parallel_loop3A_89 : i32 to vector<16xi32>
      %parallel_loop3A_91 = arith.muli %iota3A, %parallel_loop3A_90 : vector<16xi32>
      %parallel_loop3A_92 = arith.constant 1024 : i32
      %parallel_loop3A_93 = vector.broadcast %parallel_loop3A_92 : i32 to vector<16xi32>
      %parallel_loop3A_94 = arith.muli %parallel_loop3A_75, %parallel_loop3A_93 : vector<16xi32>
      %parallel_loop3A_95 = arith.addi %parallel_loop3A_91, %parallel_loop3A_94 : vector<16xi32>
      %parallel_loop3A_96 = arith.ori %parallel_loop3A_95, %parallel_loop3A_88 : vector<16xi32>
      tpu.vector_store_idx %arg9[%parallel_loop3A_96], %broadcast_in_dim3A_12 {add = true} : memref<32768xf32, #tpu.memory_space<vmem>>[vector<16xi32>], vector<16xf32>,
    } {sc.loop_unroll_factor = 8 : i64, sc.parallel_access}
    %dma_wait3A_57 = tpu.memref_slice %arg2[%add3A_45] : memref<2097152xf32, #tpu.memory_space<hbm>> -> memref<16384xf32, #tpu.memory_space<hbm>>
    %dma_wait3A_58 = tpu.memref_slice %arg2[%add3A_45] : memref<2097152xf32, #tpu.memory_space<hbm>> -> memref<16384xf32, #tpu.memory_space<hbm>>
    tpu.wait_dma2 semaphore(%arg13 : memref<!tpu.dma_semaphore, #tpu.memory_space<semaphore_mem>>) src(%dma_wait3A_58 : memref<16384xf32, #tpu.memory_space<hbm>>) dst(%arg7 : memref<16384xf32, #tpu.memory_space<vmem>>)
    %dma_wait3A_59 = tpu.memref_slice %arg3[%add3A_45] : memref<2097152xi32, #tpu.memory_space<hbm>> -> memref<16384xi32, #tpu.memory_space<hbm>>
    %dma_wait3A_60 = tpu.memref_slice %arg3[%add3A_45] : memref<2097152xi32, #tpu.memory_space<hbm>> -> memref<16384xi32, #tpu.memory_space<hbm>>
    tpu.wait_dma2 semaphore(%arg14 : memref<!tpu.dma_semaphore, #tpu.memory_space<semaphore_mem>>) src(%dma_wait3A_60 : memref<16384xi32, #tpu.memory_space<hbm>>) dst(%arg8 : memref<16384xi32, #tpu.memory_space<vmem>>)
    %parallel_loop3A_61 = arith.constant 0 : i32
    %parallel_loop3A_62 = arith.constant 1024 : i32
    %parallel_loop3A_63 = arith.constant 1 : i32
    scf.for %parallel_loop3A_67 = %parallel_loop3A_61 to %parallel_loop3A_62 step %parallel_loop3A_63  : i32 {
      %parallel_loop3A_68 = arith.constant 16 : i32
      %parallel_loop3A_69 = arith.muli %parallel_loop3A_67, %parallel_loop3A_68 : i32
      %parallel_loop3A_70 = arith.index_cast %parallel_loop3A_69 : i32 to index
      %parallel_loop3A_71 = tpu.vector_load %arg7[%parallel_loop3A_70] {strides = array<i32>} : memref<16384xf32, #tpu.memory_space<vmem>>, vector<16xf32>,
      %parallel_loop3A_72 = arith.constant 16 : i32
      %parallel_loop3A_73 = arith.muli %parallel_loop3A_67, %parallel_loop3A_72 : i32
      %parallel_loop3A_74 = arith.index_cast %parallel_loop3A_73 : i32 to index
      %parallel_loop3A_75 = tpu.vector_load %arg8[%parallel_loop3A_74] {strides = array<i32>} : memref<16384xi32, #tpu.memory_space<vmem>>, vector<16xi32>,
      %parallel_loop3A_76 = arith.constant 6.400000e+01 : f32
      %parallel_loop3A_77 = vector.broadcast %parallel_loop3A_76 : f32 to vector<16xf32>
      %parallel_loop3A_78 = arith.mulf %parallel_loop3A_71, %parallel_loop3A_77 : vector<16xf32>
      %parallel_loop3A_79 = arith.constant 5.120000e+02 : f32
      %parallel_loop3A_80 = vector.broadcast %parallel_loop3A_79 : f32 to vector<16xf32>
      %parallel_loop3A_81 = arith.addf %parallel_loop3A_78, %parallel_loop3A_80 : vector<16xf32>
      %parallel_loop3A_82 = arith.constant 0.000000e+00 : f32
      %parallel_loop3A_83 = vector.broadcast %parallel_loop3A_82 : f32 to vector<16xf32>
      %parallel_loop3A_84 = arith.maximumf %parallel_loop3A_81, %parallel_loop3A_83 : vector<16xf32>
      %parallel_loop3A_85 = arith.constant 1.023000e+03 : f32
      %parallel_loop3A_86 = vector.broadcast %parallel_loop3A_85 : f32 to vector<16xf32>
      %parallel_loop3A_87 = arith.minimumf %parallel_loop3A_84, %parallel_loop3A_86 : vector<16xf32>
      %parallel_loop3A_88 = arith.fptosi %parallel_loop3A_87 : vector<16xf32> to vector<16xi32>
      %parallel_loop3A_89 = arith.constant 2048 : i32
      %parallel_loop3A_90 = vector.broadcast %parallel_loop3A_89 : i32 to vector<16xi32>
      %parallel_loop3A_91 = arith.muli %iota3A, %parallel_loop3A_90 : vector<16xi32>
      %parallel_loop3A_92 = arith.constant 1024 : i32
      %parallel_loop3A_93 = vector.broadcast %parallel_loop3A_92 : i32 to vector<16xi32>
      %parallel_loop3A_94 = arith.muli %parallel_loop3A_75, %parallel_loop3A_93 : vector<16xi32>
      %parallel_loop3A_95 = arith.addi %parallel_loop3A_91, %parallel_loop3A_94 : vector<16xi32>
      %parallel_loop3A_96 = arith.ori %parallel_loop3A_95, %parallel_loop3A_88 : vector<16xi32>
      tpu.vector_store_idx %arg9[%parallel_loop3A_96], %broadcast_in_dim3A_12 {add = true} : memref<32768xf32, #tpu.memory_space<vmem>>[vector<16xi32>], vector<16xf32>,
    } {sc.loop_unroll_factor = 8 : i64, sc.parallel_access}
    %parallel_loop3A_64 = arith.constant 0 : i32
    %parallel_loop3A_65 = arith.constant 128 : i32
    %parallel_loop3A_66 = arith.constant 1 : i32
    scf.for %parallel_loop3A_67 = %parallel_loop3A_64 to %parallel_loop3A_65 step %parallel_loop3A_66  : i32 {
      %parallel_loop3A_68 = arith.constant 8 : i32
      %parallel_loop3A_69 = arith.divsi %parallel_loop3A_67, %parallel_loop3A_68 : i32
      %parallel_loop3A_70 = arith.constant 0 : i32
      %parallel_loop3A_71 = arith.cmpi sgt, %parallel_loop3A_67, %parallel_loop3A_70 : i32
      %parallel_loop3A_72 = arith.extui %parallel_loop3A_71 : i1 to i32
      %parallel_loop3A_73 = arith.constant 0 : i32
      %parallel_loop3A_74 = arith.cmpi slt, %parallel_loop3A_67, %parallel_loop3A_73 : i32
      %parallel_loop3A_75 = arith.extui %parallel_loop3A_74 : i1 to i32
      %parallel_loop3A_76 = arith.subi %parallel_loop3A_72, %parallel_loop3A_75 : i32
      %parallel_loop3A_77 = arith.constant 0 : i32
      %parallel_loop3A_78 = arith.cmpi sgt, %parallel_loop3A_68, %parallel_loop3A_77 : i32
      %parallel_loop3A_79 = arith.extui %parallel_loop3A_78 : i1 to i32
      %parallel_loop3A_80 = arith.constant 0 : i32
      %parallel_loop3A_81 = arith.cmpi slt, %parallel_loop3A_68, %parallel_loop3A_80 : i32
      %parallel_loop3A_82 = arith.extui %parallel_loop3A_81 : i1 to i32
      %parallel_loop3A_83 = arith.subi %parallel_loop3A_79, %parallel_loop3A_82 : i32
      %parallel_loop3A_84 = arith.cmpi ne, %parallel_loop3A_76, %parallel_loop3A_83 : i32
      %parallel_loop3A_85 = arith.remsi %parallel_loop3A_67, %parallel_loop3A_68 : i32
      %parallel_loop3A_86 = arith.constant 0 : i32
      %parallel_loop3A_87 = arith.cmpi ne, %parallel_loop3A_85, %parallel_loop3A_86 : i32
      %parallel_loop3A_88 = arith.andi %parallel_loop3A_84, %parallel_loop3A_87 : i1
      %parallel_loop3A_89 = arith.constant 1 : i32
      %parallel_loop3A_90 = arith.subi %parallel_loop3A_69, %parallel_loop3A_89 : i32
      %parallel_loop3A_91 = arith.select %parallel_loop3A_88, %parallel_loop3A_90, %parallel_loop3A_69 : i32
      %parallel_loop3A_92 = arith.constant 8 : i32
      %parallel_loop3A_93 = arith.constant 0 : i32
      %parallel_loop3A_94 = arith.cmpi eq, %parallel_loop3A_92, %parallel_loop3A_93 : i32
      %parallel_loop3A_95 = arith.constant 1 : i32
      %parallel_loop3A_96 = arith.select %parallel_loop3A_94, %parallel_loop3A_95, %parallel_loop3A_92 : i32
      %parallel_loop3A_97 = arith.remsi %parallel_loop3A_67, %parallel_loop3A_96 : i32
      %parallel_loop3A_98 = arith.constant 0 : i32
      %parallel_loop3A_99 = arith.cmpi ne, %parallel_loop3A_97, %parallel_loop3A_98 : i32
      %parallel_loop3A_100 = arith.constant 0 : i32
      %parallel_loop3A_101 = arith.cmpi slt, %parallel_loop3A_97, %parallel_loop3A_100 : i32
      %parallel_loop3A_102 = arith.constant 0 : i32
      %parallel_loop3A_103 = arith.cmpi slt, %parallel_loop3A_96, %parallel_loop3A_102 : i32
      %parallel_loop3A_104 = arith.xori %parallel_loop3A_101, %parallel_loop3A_103 : i1
      %parallel_loop3A_105 = arith.andi %parallel_loop3A_104, %parallel_loop3A_99 : i1
      %parallel_loop3A_106 = arith.addi %parallel_loop3A_97, %parallel_loop3A_96 : i32
      %parallel_loop3A_107 = arith.select %parallel_loop3A_105, %parallel_loop3A_106, %parallel_loop3A_97 : i32
      %parallel_loop3A_108 = arith.constant 128 : i32
      %parallel_loop3A_109 = arith.muli %parallel_loop3A_91, %parallel_loop3A_108 : i32
      %parallel_loop3A_110 = arith.constant 16 : i32
      %parallel_loop3A_111 = arith.muli %parallel_loop3A_107, %parallel_loop3A_110 : i32
      %parallel_loop3A_112 = arith.addi %parallel_loop3A_109, %parallel_loop3A_111 : i32
      %parallel_loop3A_113 = arith.index_cast %parallel_loop3A_112 : i32 to index
      %parallel_loop3A_114 = tpu.vector_load %arg9[%parallel_loop3A_113] {strides = array<i32>} : memref<32768xf32, #tpu.memory_space<vmem>>, vector<16xf32>,
      %parallel_loop3A_115 = arith.constant 128 : i32
      %parallel_loop3A_116 = arith.muli %parallel_loop3A_91, %parallel_loop3A_115 : i32
      %parallel_loop3A_117 = arith.constant 2048 : i32
      %parallel_loop3A_118 = arith.addi %parallel_loop3A_117, %parallel_loop3A_116 : i32
      %parallel_loop3A_119 = arith.constant 16 : i32
      %parallel_loop3A_120 = arith.muli %parallel_loop3A_107, %parallel_loop3A_119 : i32
      %parallel_loop3A_121 = arith.addi %parallel_loop3A_118, %parallel_loop3A_120 : i32
      %parallel_loop3A_122 = arith.index_cast %parallel_loop3A_121 : i32 to index
      %parallel_loop3A_123 = tpu.vector_load %arg9[%parallel_loop3A_122] {strides = array<i32>} : memref<32768xf32, #tpu.memory_space<vmem>>, vector<16xf32>,
      %parallel_loop3A_124 = arith.addf %parallel_loop3A_114, %parallel_loop3A_123 : vector<16xf32>
      %parallel_loop3A_125 = arith.constant 128 : i32
      %parallel_loop3A_126 = arith.muli %parallel_loop3A_91, %parallel_loop3A_125 : i32
      %parallel_loop3A_127 = arith.constant 4096 : i32
      %parallel_loop3A_128 = arith.addi %parallel_loop3A_127, %parallel_loop3A_126 : i32
      %parallel_loop3A_129 = arith.constant 16 : i32
      %parallel_loop3A_130 = arith.muli %parallel_loop3A_107, %parallel_loop3A_129 : i32
      %parallel_loop3A_131 = arith.addi %parallel_loop3A_128, %parallel_loop3A_130 : i32
      %parallel_loop3A_132 = arith.index_cast %parallel_loop3A_131 : i32 to index
      %parallel_loop3A_133 = tpu.vector_load %arg9[%parallel_loop3A_132] {strides = array<i32>} : memref<32768xf32, #tpu.memory_space<vmem>>, vector<16xf32>,
      %parallel_loop3A_134 = arith.addf %parallel_loop3A_124, %parallel_loop3A_133 : vector<16xf32>
      %parallel_loop3A_135 = arith.constant 128 : i32
      %parallel_loop3A_136 = arith.muli %parallel_loop3A_91, %parallel_loop3A_135 : i32
      %parallel_loop3A_137 = arith.constant 6144 : i32
      %parallel_loop3A_138 = arith.addi %parallel_loop3A_137, %parallel_loop3A_136 : i32
      %parallel_loop3A_139 = arith.constant 16 : i32
      %parallel_loop3A_140 = arith.muli %parallel_loop3A_107, %parallel_loop3A_139 : i32
      %parallel_loop3A_141 = arith.addi %parallel_loop3A_138, %parallel_loop3A_140 : i32
      %parallel_loop3A_142 = arith.index_cast %parallel_loop3A_141 : i32 to index
      %parallel_loop3A_143 = tpu.vector_load %arg9[%parallel_loop3A_142] {strides = array<i32>} : memref<32768xf32, #tpu.memory_space<vmem>>, vector<16xf32>,
      %parallel_loop3A_144 = arith.addf %parallel_loop3A_134, %parallel_loop3A_143 : vector<16xf32>
      %parallel_loop3A_145 = arith.constant 128 : i32
      %parallel_loop3A_146 = arith.muli %parallel_loop3A_91, %parallel_loop3A_145 : i32
      %parallel_loop3A_147 = arith.constant 8192 : i32
      %parallel_loop3A_148 = arith.addi %parallel_loop3A_147, %parallel_loop3A_146 : i32
      %parallel_loop3A_149 = arith.constant 16 : i32
      %parallel_loop3A_150 = arith.muli %parallel_loop3A_107, %parallel_loop3A_149 : i32
      %parallel_loop3A_151 = arith.addi %parallel_loop3A_148, %parallel_loop3A_150 : i32
      %parallel_loop3A_152 = arith.index_cast %parallel_loop3A_151 : i32 to index
      %parallel_loop3A_153 = tpu.vector_load %arg9[%parallel_loop3A_152] {strides = array<i32>} : memref<32768xf32, #tpu.memory_space<vmem>>, vector<16xf32>,
      %parallel_loop3A_154 = arith.addf %parallel_loop3A_144, %parallel_loop3A_153 : vector<16xf32>
      %parallel_loop3A_155 = arith.constant 128 : i32
      %parallel_loop3A_156 = arith.muli %parallel_loop3A_91, %parallel_loop3A_155 : i32
      %parallel_loop3A_157 = arith.constant 10240 : i32
      %parallel_loop3A_158 = arith.addi %parallel_loop3A_157, %parallel_loop3A_156 : i32
      %parallel_loop3A_159 = arith.constant 16 : i32
      %parallel_loop3A_160 = arith.muli %parallel_loop3A_107, %parallel_loop3A_159 : i32
      %parallel_loop3A_161 = arith.addi %parallel_loop3A_158, %parallel_loop3A_160 : i32
      %parallel_loop3A_162 = arith.index_cast %parallel_loop3A_161 : i32 to index
      %parallel_loop3A_163 = tpu.vector_load %arg9[%parallel_loop3A_162] {strides = array<i32>} : memref<32768xf32, #tpu.memory_space<vmem>>, vector<16xf32>,
      %parallel_loop3A_164 = arith.addf %parallel_loop3A_154, %parallel_loop3A_163 : vector<16xf32>
      %parallel_loop3A_165 = arith.constant 128 : i32
      %parallel_loop3A_166 = arith.muli %parallel_loop3A_91, %parallel_loop3A_165 : i32
      %parallel_loop3A_167 = arith.constant 12288 : i32
      %parallel_loop3A_168 = arith.addi %parallel_loop3A_167, %parallel_loop3A_166 : i32
      %parallel_loop3A_169 = arith.constant 16 : i32
      %parallel_loop3A_170 = arith.muli %parallel_loop3A_107, %parallel_loop3A_169 : i32
      %parallel_loop3A_171 = arith.addi %parallel_loop3A_168, %parallel_loop3A_170 : i32
      %parallel_loop3A_172 = arith.index_cast %parallel_loop3A_171 : i32 to index
      %parallel_loop3A_173 = tpu.vector_load %arg9[%parallel_loop3A_172] {strides = array<i32>} : memref<32768xf32, #tpu.memory_space<vmem>>, vector<16xf32>,
      %parallel_loop3A_174 = arith.addf %parallel_loop3A_164, %parallel_loop3A_173 : vector<16xf32>
      %parallel_loop3A_175 = arith.constant 128 : i32
      %parallel_loop3A_176 = arith.muli %parallel_loop3A_91, %parallel_loop3A_175 : i32
      %parallel_loop3A_177 = arith.constant 14336 : i32
      %parallel_loop3A_178 = arith.addi %parallel_loop3A_177, %parallel_loop3A_176 : i32
      %parallel_loop3A_179 = arith.constant 16 : i32
      %parallel_loop3A_180 = arith.muli %parallel_loop3A_107, %parallel_loop3A_179 : i32
      %parallel_loop3A_181 = arith.addi %parallel_loop3A_178, %parallel_loop3A_180 : i32
      %parallel_loop3A_182 = arith.index_cast %parallel_loop3A_181 : i32 to index
      %parallel_loop3A_183 = tpu.vector_load %arg9[%parallel_loop3A_182] {strides = array<i32>} : memref<32768xf32, #tpu.memory_space<vmem>>, vector<16xf32>,
      %parallel_loop3A_184 = arith.addf %parallel_loop3A_174, %parallel_loop3A_183 : vector<16xf32>
      %parallel_loop3A_185 = arith.constant 128 : i32
      %parallel_loop3A_186 = arith.muli %parallel_loop3A_91, %parallel_loop3A_185 : i32
      %parallel_loop3A_187 = arith.constant 16384 : i32
      %parallel_loop3A_188 = arith.addi %parallel_loop3A_187, %parallel_loop3A_186 : i32
      %parallel_loop3A_189 = arith.constant 16 : i32
      %parallel_loop3A_190 = arith.muli %parallel_loop3A_107, %parallel_loop3A_189 : i32
      %parallel_loop3A_191 = arith.addi %parallel_loop3A_188, %parallel_loop3A_190 : i32
      %parallel_loop3A_192 = arith.index_cast %parallel_loop3A_191 : i32 to index
      %parallel_loop3A_193 = tpu.vector_load %arg9[%parallel_loop3A_192] {strides = array<i32>} : memref<32768xf32, #tpu.memory_space<vmem>>, vector<16xf32>,
      %parallel_loop3A_194 = arith.addf %parallel_loop3A_184, %parallel_loop3A_193 : vector<16xf32>
      %parallel_loop3A_195 = arith.constant 128 : i32
      %parallel_loop3A_196 = arith.muli %parallel_loop3A_91, %parallel_loop3A_195 : i32
      %parallel_loop3A_197 = arith.constant 18432 : i32
      %parallel_loop3A_198 = arith.addi %parallel_loop3A_197, %parallel_loop3A_196 : i32
      %parallel_loop3A_199 = arith.constant 16 : i32
      %parallel_loop3A_200 = arith.muli %parallel_loop3A_107, %parallel_loop3A_199 : i32
      %parallel_loop3A_201 = arith.addi %parallel_loop3A_198, %parallel_loop3A_200 : i32
      %parallel_loop3A_202 = arith.index_cast %parallel_loop3A_201 : i32 to index
      %parallel_loop3A_203 = tpu.vector_load %arg9[%parallel_loop3A_202] {strides = array<i32>} : memref<32768xf32, #tpu.memory_space<vmem>>, vector<16xf32>,
      %parallel_loop3A_204 = arith.addf %parallel_loop3A_194, %parallel_loop3A_203 : vector<16xf32>
      %parallel_loop3A_205 = arith.constant 128 : i32
      %parallel_loop3A_206 = arith.muli %parallel_loop3A_91, %parallel_loop3A_205 : i32
      %parallel_loop3A_207 = arith.constant 20480 : i32
      %parallel_loop3A_208 = arith.addi %parallel_loop3A_207, %parallel_loop3A_206 : i32
      %parallel_loop3A_209 = arith.constant 16 : i32
      %parallel_loop3A_210 = arith.muli %parallel_loop3A_107, %parallel_loop3A_209 : i32
      %parallel_loop3A_211 = arith.addi %parallel_loop3A_208, %parallel_loop3A_210 : i32
      %parallel_loop3A_212 = arith.index_cast %parallel_loop3A_211 : i32 to index
      %parallel_loop3A_213 = tpu.vector_load %arg9[%parallel_loop3A_212] {strides = array<i32>} : memref<32768xf32, #tpu.memory_space<vmem>>, vector<16xf32>,
      %parallel_loop3A_214 = arith.addf %parallel_loop3A_204, %parallel_loop3A_213 : vector<16xf32>
      %parallel_loop3A_215 = arith.constant 128 : i32
      %parallel_loop3A_216 = arith.muli %parallel_loop3A_91, %parallel_loop3A_215 : i32
      %parallel_loop3A_217 = arith.constant 22528 : i32
      %parallel_loop3A_218 = arith.addi %parallel_loop3A_217, %parallel_loop3A_216 : i32
      %parallel_loop3A_219 = arith.constant 16 : i32
      %parallel_loop3A_220 = arith.muli %parallel_loop3A_107, %parallel_loop3A_219 : i32
      %parallel_loop3A_221 = arith.addi %parallel_loop3A_218, %parallel_loop3A_220 : i32
      %parallel_loop3A_222 = arith.index_cast %parallel_loop3A_221 : i32 to index
      %parallel_loop3A_223 = tpu.vector_load %arg9[%parallel_loop3A_222] {strides = array<i32>} : memref<32768xf32, #tpu.memory_space<vmem>>, vector<16xf32>,
      %parallel_loop3A_224 = arith.addf %parallel_loop3A_214, %parallel_loop3A_223 : vector<16xf32>
      %parallel_loop3A_225 = arith.constant 128 : i32
      %parallel_loop3A_226 = arith.muli %parallel_loop3A_91, %parallel_loop3A_225 : i32
      %parallel_loop3A_227 = arith.constant 24576 : i32
      %parallel_loop3A_228 = arith.addi %parallel_loop3A_227, %parallel_loop3A_226 : i32
      %parallel_loop3A_229 = arith.constant 16 : i32
      %parallel_loop3A_230 = arith.muli %parallel_loop3A_107, %parallel_loop3A_229 : i32
      %parallel_loop3A_231 = arith.addi %parallel_loop3A_228, %parallel_loop3A_230 : i32
      %parallel_loop3A_232 = arith.index_cast %parallel_loop3A_231 : i32 to index
      %parallel_loop3A_233 = tpu.vector_load %arg9[%parallel_loop3A_232] {strides = array<i32>} : memref<32768xf32, #tpu.memory_space<vmem>>, vector<16xf32>,
      %parallel_loop3A_234 = arith.addf %parallel_loop3A_224, %parallel_loop3A_233 : vector<16xf32>
      %parallel_loop3A_235 = arith.constant 128 : i32
      %parallel_loop3A_236 = arith.muli %parallel_loop3A_91, %parallel_loop3A_235 : i32
      %parallel_loop3A_237 = arith.constant 26624 : i32
      %parallel_loop3A_238 = arith.addi %parallel_loop3A_237, %parallel_loop3A_236 : i32
      %parallel_loop3A_239 = arith.constant 16 : i32
      %parallel_loop3A_240 = arith.muli %parallel_loop3A_107, %parallel_loop3A_239 : i32
      %parallel_loop3A_241 = arith.addi %parallel_loop3A_238, %parallel_loop3A_240 : i32
      %parallel_loop3A_242 = arith.index_cast %parallel_loop3A_241 : i32 to index
      %parallel_loop3A_243 = tpu.vector_load %arg9[%parallel_loop3A_242] {strides = array<i32>} : memref<32768xf32, #tpu.memory_space<vmem>>, vector<16xf32>,
      %parallel_loop3A_244 = arith.addf %parallel_loop3A_234, %parallel_loop3A_243 : vector<16xf32>
      %parallel_loop3A_245 = arith.constant 128 : i32
      %parallel_loop3A_246 = arith.muli %parallel_loop3A_91, %parallel_loop3A_245 : i32
      %parallel_loop3A_247 = arith.constant 28672 : i32
      %parallel_loop3A_248 = arith.addi %parallel_loop3A_247, %parallel_loop3A_246 : i32
      %parallel_loop3A_249 = arith.constant 16 : i32
      %parallel_loop3A_250 = arith.muli %parallel_loop3A_107, %parallel_loop3A_249 : i32
      %parallel_loop3A_251 = arith.addi %parallel_loop3A_248, %parallel_loop3A_250 : i32
      %parallel_loop3A_252 = arith.index_cast %parallel_loop3A_251 : i32 to index
      %parallel_loop3A_253 = tpu.vector_load %arg9[%parallel_loop3A_252] {strides = array<i32>} : memref<32768xf32, #tpu.memory_space<vmem>>, vector<16xf32>,
      %parallel_loop3A_254 = arith.addf %parallel_loop3A_244, %parallel_loop3A_253 : vector<16xf32>
      %parallel_loop3A_255 = arith.constant 128 : i32
      %parallel_loop3A_256 = arith.muli %parallel_loop3A_91, %parallel_loop3A_255 : i32
      %parallel_loop3A_257 = arith.constant 30720 : i32
      %parallel_loop3A_258 = arith.addi %parallel_loop3A_257, %parallel_loop3A_256 : i32
      %parallel_loop3A_259 = arith.constant 16 : i32
      %parallel_loop3A_260 = arith.muli %parallel_loop3A_107, %parallel_loop3A_259 : i32
      %parallel_loop3A_261 = arith.addi %parallel_loop3A_258, %parallel_loop3A_260 : i32
      %parallel_loop3A_262 = arith.index_cast %parallel_loop3A_261 : i32 to index
      %parallel_loop3A_263 = tpu.vector_load %arg9[%parallel_loop3A_262] {strides = array<i32>} : memref<32768xf32, #tpu.memory_space<vmem>>, vector<16xf32>,
      %parallel_loop3A_264 = arith.addf %parallel_loop3A_254, %parallel_loop3A_263 : vector<16xf32>
      %parallel_loop3A_265 = arith.constant 16 : i32
      %parallel_loop3A_266 = arith.muli %parallel_loop3A_107, %parallel_loop3A_265 : i32
      %parallel_loop3A_267 = arith.index_cast %parallel_loop3A_91 : i32 to index
      %parallel_loop3A_268 = arith.index_cast %parallel_loop3A_266 : i32 to index
      %parallel_loop3A_269 = tpu.vector_load %arg10[%parallel_loop3A_267, %parallel_loop3A_268] {strides = array<i32>} : memref<16x128xf32, #tpu.memory_space<vmem>>, vector<16xf32>,
      tpu.vector_store %arg10[%parallel_loop3A_267, %parallel_loop3A_268], %parallel_loop3A_264 {strides = array<i32>} : memref<16x128xf32, #tpu.memory_space<vmem>>, vector<16xf32>,
    } {sc.loop_unroll_factor = 2 : i64, sc.parallel_access}
    "tpu.region"() ({
      %run_scoped3A = tpu.sem_alloc : memref<!tpu.dma_semaphore, #tpu.memory_space<semaphore_mem>>
      %dma_start3A_67 = arith.constant 0 : i32
      %dma_start3A_68 = arith.constant 0 : i32
      %dma_start3A_69 = tpu.memref_slice %arg4[%add3A, %dma_start3A_67, %dma_start3A_68] : memref<32x16x128xf32, #tpu.memory_space<hbm>> -> memref<1x16x128xf32, #tpu.memory_space<hbm>>
      %dma_start3A_70 = tpu.memref_squeeze %dma_start3A_69 : memref<1x16x128xf32, #tpu.memory_space<hbm>> -> memref<16x128xf32, #tpu.memory_space<hbm>>
      %dma_start3A_71 = arith.constant 0 : i32
      %dma_start3A_72 = arith.constant 0 : i32
      %dma_start3A_73 = tpu.memref_slice %arg4[%add3A, %dma_start3A_71, %dma_start3A_72] : memref<32x16x128xf32, #tpu.memory_space<hbm>> -> memref<1x16x128xf32, #tpu.memory_space<hbm>>
      %dma_start3A_74 = tpu.memref_squeeze %dma_start3A_73 : memref<1x16x128xf32, #tpu.memory_space<hbm>> -> memref<16x128xf32, #tpu.memory_space<hbm>>
      tpu.enqueue_dma source(%arg10 : memref<16x128xf32, #tpu.memory_space<vmem>>) target(%dma_start3A_74 : memref<16x128xf32, #tpu.memory_space<hbm>>) target_semaphore(%run_scoped3A : memref<!tpu.dma_semaphore, #tpu.memory_space<semaphore_mem>>)
      %dma_wait3A_75 = arith.constant 0 : i32
      %dma_wait3A_76 = arith.constant 0 : i32
      %dma_wait3A_77 = tpu.memref_slice %arg4[%add3A, %dma_wait3A_75, %dma_wait3A_76] : memref<32x16x128xf32, #tpu.memory_space<hbm>> -> memref<1x16x128xf32, #tpu.memory_space<hbm>>
      %dma_wait3A_78 = tpu.memref_squeeze %dma_wait3A_77 : memref<1x16x128xf32, #tpu.memory_space<hbm>> -> memref<16x128xf32, #tpu.memory_space<hbm>>
      %dma_wait3A_79 = arith.constant 0 : i32
      %dma_wait3A_80 = arith.constant 0 : i32
      %dma_wait3A_81 = tpu.memref_slice %arg4[%add3A, %dma_wait3A_79, %dma_wait3A_80] : memref<32x16x128xf32, #tpu.memory_space<hbm>> -> memref<1x16x128xf32, #tpu.memory_space<hbm>>
      %dma_wait3A_82 = tpu.memref_squeeze %dma_wait3A_81 : memref<1x16x128xf32, #tpu.memory_space<hbm>> -> memref<16x128xf32, #tpu.memory_space<hbm>>
      tpu.wait_dma2 semaphore(%run_scoped3A : memref<!tpu.dma_semaphore, #tpu.memory_space<semaphore_mem>>) src(%arg10 : memref<16x128xf32, #tpu.memory_space<vmem>>) dst(%dma_wait3A_82 : memref<16x128xf32, #tpu.memory_space<hbm>>)
      tpu.yield
    }) : () -> ()
    return
  }
}

module attributes {stable_mosaic.version = 14 : i64} {
  func.func @_finalize_body(%arg0: memref<32x16x128xf32, #tpu.memory_space<vmem>>, %arg1: memref<1x1xf32, #tpu.memory_space<smem>>) attributes {dimension_semantics = [], scalar_prefetch = 0 : i64, scratch_operands = 0 : i64, tpu.core_type = #tpu.core_type<tc>} {
    %get3A = arith.constant 0 : index
    %get3A_0 = arith.constant 0 : index
    %get3A_1 = arith.constant 0 : index
    %get3A_2 = vector.load %arg0[%get3A, %get3A_0, %get3A_1] : memref<32x16x128xf32, #tpu.memory_space<vmem>>, vector<32x16x128xf32>
    %reduce_sum3A = arith.constant dense<0.000000e+00> : vector<16x128xf32>
    %reduce_sum3A_3 = vector.multi_reduction <add>, %get3A_2, %reduce_sum3A [0] : vector<32x16x128xf32> to vector<16x128xf32>
    %slice3A = vector.extract_strided_slice %reduce_sum3A_3 {offsets = [0, 0], sizes = [8, 128], strides = [1, 1]} : vector<16x128xf32> to vector<8x128xf32>
    %slice3A_4 = vector.extract_strided_slice %reduce_sum3A_3 {offsets = [8, 0], sizes = [8, 128], strides = [1, 1]} : vector<16x128xf32> to vector<8x128xf32>
    %iota3A = tpu.iota {dimensions = array<i32: 0>} : vector<8x8xi32>
    %iota3A_5 = tpu.iota {dimensions = array<i32: 1>} : vector<8x8xi32>
    %add3A = arith.addi %iota3A, %iota3A_5 : vector<8x8xi32>
    %eq3A = arith.constant 7 : i32
    %eq3A_6 = vector.broadcast %eq3A : i32 to vector<8x8xi32>
    %eq3A_7 = arith.cmpi eq, %add3A, %eq3A_6 : vector<8x8xi32>
    %convert_element_type3A = arith.extui %eq3A_7 : vector<8x8xi1> to vector<8x8xi32>
    %convert_element_type3A_8 = arith.sitofp %convert_element_type3A : vector<8x8xi32> to vector<8x8xf32>
    %iota3A_9 = tpu.iota {dimensions = array<i32: 0>} : vector<128x128xi32>
    %iota3A_10 = tpu.iota {dimensions = array<i32: 1>} : vector<128x128xi32>
    %add3A_11 = arith.addi %iota3A_9, %iota3A_10 : vector<128x128xi32>
    %eq3A_12 = arith.constant 127 : i32
    %eq3A_13 = vector.broadcast %eq3A_12 : i32 to vector<128x128xi32>
    %eq3A_14 = arith.cmpi eq, %add3A_11, %eq3A_13 : vector<128x128xi32>
    %convert_element_type3A_15 = arith.extui %eq3A_14 : vector<128x128xi1> to vector<128x128xi32>
    %convert_element_type3A_16 = arith.sitofp %convert_element_type3A_15 : vector<128x128xi32> to vector<128x128xf32>
    %dot_general3A = arith.constant dense<0.000000e+00> : vector<8x128xf32>
    %dot_general3A_17 = tpu.matmul %slice3A, %convert_element_type3A_16, %dot_general3A {dimension_numbers = #tpu.dot_dimension_numbers<[1], [0], [0], [1], [0, 0, 1, 1], [], []>, transpose_lhs_hint = false} : vector<8x128xf32>, vector<128x128xf32>, vector<8x128xf32> -> vector<8x128xf32>
    %dot_general3A_18 = arith.constant dense<0.000000e+00> : vector<8x128xf32>
    %dot_general3A_19 = tpu.matmul %convert_element_type3A_8, %dot_general3A_17, %dot_general3A_18 {dimension_numbers = #tpu.dot_dimension_numbers<[1], [0], [0], [1], [0, 0, 1, 1], [], []>, transpose_lhs_hint = false} : vector<8x8xf32>, vector<8x128xf32>, vector<8x128xf32> -> vector<8x128xf32>
    %add3A_20 = arith.addf %dot_general3A_19, %slice3A_4 : vector<8x128xf32>
    %reduce_sum3A_21 = vector.shape_cast %slice3A_4 : vector<8x128xf32> to vector<1x8x128xf32>
    %reduce_sum3A_22 = arith.constant dense<0.000000e+00> : vector<1xf32>
    %reduce_sum3A_23 = vector.multi_reduction <add>, %reduce_sum3A_21, %reduce_sum3A_22 [1, 2] : vector<1x8x128xf32> to vector<1xf32>
    %reduce_sum3A_24 = vector.shape_cast %reduce_sum3A_23 : vector<1xf32> to vector<1x1x1xf32>
    %reduce_sum3A_25 = vector.extract %reduce_sum3A_24[0, 0, 0] : f32 from vector<1x1x1xf32>
    %iota3A_26 = tpu.iota {dimensions = array<i32: 0>} : vector<128x128xi32>
    %iota3A_27 = tpu.iota {dimensions = array<i32: 1>} : vector<128x128xi32>
    %le3A = arith.cmpi sle, %iota3A_26, %iota3A_27 : vector<128x128xi32>
    %convert_element_type3A_28 = arith.extui %le3A : vector<128x128xi1> to vector<128x128xi32>
    %convert_element_type3A_29 = arith.sitofp %convert_element_type3A_28 : vector<128x128xi32> to vector<128x128xf32>
    %iota3A_30 = tpu.iota {dimensions = array<i32: 0>} : vector<8x8xi32>
    %iota3A_31 = tpu.iota {dimensions = array<i32: 1>} : vector<8x8xi32>
    %lt3A = arith.cmpi slt, %iota3A_31, %iota3A_30 : vector<8x8xi32>
    %convert_element_type3A_32 = arith.extui %lt3A : vector<8x8xi1> to vector<8x8xi32>
    %convert_element_type3A_33 = arith.sitofp %convert_element_type3A_32 : vector<8x8xi32> to vector<8x8xf32>
    %dot_general3A_34 = arith.constant dense<0.000000e+00> : vector<8x128xf32>
    %dot_general3A_35 = tpu.matmul %add3A_20, %convert_element_type3A_29, %dot_general3A_34 {dimension_numbers = #tpu.dot_dimension_numbers<[1], [0], [0], [1], [0, 0, 1, 1], [], []>, transpose_lhs_hint = false} : vector<8x128xf32>, vector<128x128xf32>, vector<8x128xf32> -> vector<8x128xf32>
    %dot_general3A_36 = arith.constant dense<0.000000e+00> : vector<8x128xf32>
    %dot_general3A_37 = tpu.matmul %slice3A_4, %convert_element_type3A_29, %dot_general3A_36 {dimension_numbers = #tpu.dot_dimension_numbers<[1], [0], [0], [1], [0, 0, 1, 1], [], []>, transpose_lhs_hint = false} : vector<8x128xf32>, vector<128x128xf32>, vector<8x128xf32> -> vector<8x128xf32>
    %slice3A_38 = vector.extract_strided_slice %dot_general3A_35 {offsets = [0, 127], sizes = [8, 1], strides = [1, 1]} : vector<8x128xf32> to vector<8x1xf32>
    %dot_general3A_39 = arith.constant dense<0.000000e+00> : vector<8x1xf32>
    %dot_general3A_40 = tpu.matmul %convert_element_type3A_33, %slice3A_38, %dot_general3A_39 {dimension_numbers = #tpu.dot_dimension_numbers<[1], [0], [0], [1], [0, 0, 1, 1], [], []>, transpose_lhs_hint = false} : vector<8x8xf32>, vector<8x1xf32>, vector<8x1xf32> -> vector<8x1xf32>
    %slice3A_41 = vector.extract_strided_slice %dot_general3A_37 {offsets = [0, 127], sizes = [8, 1], strides = [1, 1]} : vector<8x128xf32> to vector<8x1xf32>
    %dot_general3A_42 = arith.constant dense<0.000000e+00> : vector<8x1xf32>
    %dot_general3A_43 = tpu.matmul %convert_element_type3A_33, %slice3A_41, %dot_general3A_42 {dimension_numbers = #tpu.dot_dimension_numbers<[1], [0], [0], [1], [0, 0, 1, 1], [], []>, transpose_lhs_hint = false} : vector<8x8xf32>, vector<8x1xf32>, vector<8x1xf32> -> vector<8x1xf32>
    %add3A_44 = vector.broadcast %dot_general3A_40 : vector<8x1xf32> to vector<8x128xf32>
    %add3A_45 = arith.addf %dot_general3A_35, %add3A_44 : vector<8x128xf32>
    %add3A_46 = vector.broadcast %dot_general3A_43 : vector<8x1xf32> to vector<8x128xf32>
    %add3A_47 = arith.addf %dot_general3A_37, %add3A_46 : vector<8x128xf32>
    %sub3A = vector.broadcast %reduce_sum3A_25 : f32 to vector<8x128xf32>
    %sub3A_48 = arith.subf %sub3A, %add3A_47 : vector<8x128xf32>
    %add3A_49 = vector.broadcast %reduce_sum3A_25 : f32 to vector<8x128xf32>
    %add3A_50 = arith.addf %add3A_49, %add3A_45 : vector<8x128xf32>
    %sub3A_51 = arith.subf %add3A_50, %add3A_47 : vector<8x128xf32>
    %div3A = arith.divf %sub3A_48, %sub3A_51 : vector<8x128xf32>
    %sub3A_52 = arith.constant 1.000000e+00 : f32
    %sub3A_53 = vector.broadcast %sub3A_52 : f32 to vector<8x128xf32>
    %sub3A_54 = arith.subf %sub3A_53, %div3A : vector<8x128xf32>
    %sub3A_55 = arith.subf %add3A_45, %add3A_20 : vector<8x128xf32>
    %sub3A_56 = arith.subf %add3A_47, %slice3A_4 : vector<8x128xf32>
    %sub3A_57 = vector.broadcast %reduce_sum3A_25 : f32 to vector<8x128xf32>
    %sub3A_58 = arith.subf %sub3A_57, %sub3A_56 : vector<8x128xf32>
    %add3A_59 = vector.broadcast %reduce_sum3A_25 : f32 to vector<8x128xf32>
    %add3A_60 = arith.addf %add3A_59, %sub3A_55 : vector<8x128xf32>
    %sub3A_61 = arith.subf %add3A_60, %sub3A_56 : vector<8x128xf32>
    %div3A_62 = arith.divf %sub3A_58, %sub3A_61 : vector<8x128xf32>
    %sub3A_63 = arith.constant 1.000000e+00 : f32
    %sub3A_64 = vector.broadcast %sub3A_63 : f32 to vector<8x128xf32>
    %sub3A_65 = arith.subf %sub3A_64, %div3A_62 : vector<8x128xf32>
    %iota3A_66 = tpu.iota {dimensions = array<i32: 0>} : vector<8x128xi32>
    %iota3A_67 = tpu.iota {dimensions = array<i32: 1>} : vector<8x128xi32>
    %mul3A = arith.constant 128 : i32
    %mul3A_68 = vector.broadcast %mul3A : i32 to vector<8x128xi32>
    %mul3A_69 = arith.muli %iota3A_66, %mul3A_68 : vector<8x128xi32>
    %add3A_70 = arith.addi %mul3A_69, %iota3A_67 : vector<8x128xi32>
    %convert_element_type3A_71 = arith.sitofp %add3A_70 : vector<8x128xi32> to vector<8x128xf32>
    %add3A_72 = arith.constant 5.000000e-01 : f32
    %add3A_73 = vector.broadcast %add3A_72 : f32 to vector<8x128xf32>
    %add3A_74 = arith.addf %convert_element_type3A_71, %add3A_73 : vector<8x128xf32>
    %mul3A_75 = arith.constant 1.562500e-02 : f32
    %mul3A_76 = vector.broadcast %mul3A_75 : f32 to vector<8x128xf32>
    %mul3A_77 = arith.mulf %add3A_74, %mul3A_76 : vector<8x128xf32>
    %sub3A_78 = arith.constant 8.000000e+00 : f32
    %sub3A_79 = vector.broadcast %sub3A_78 : f32 to vector<8x128xf32>
    %sub3A_80 = arith.subf %mul3A_77, %sub3A_79 : vector<8x128xf32>
    %exp3A = math.exp %sub3A_80 : vector<8x128xf32>
    %add3A_81 = arith.constant 1.000000e+00 : f32
    %add3A_82 = vector.broadcast %add3A_81 : f32 to vector<8x128xf32>
    %add3A_83 = arith.addf %add3A_82, %exp3A : vector<8x128xf32>
    %div3A_84 = arith.constant 1.000000e+00 : f32
    %div3A_85 = vector.broadcast %div3A_84 : f32 to vector<8x128xf32>
    %div3A_86 = arith.divf %div3A_85, %add3A_83 : vector<8x128xf32>
    %sub3A_87 = arith.subf %sub3A_54, %sub3A_65 : vector<8x128xf32>
    %mul3A_88 = arith.mulf %div3A_86, %sub3A_87 : vector<8x128xf32>
    %reduce_sum3A_89 = vector.shape_cast %mul3A_88 : vector<8x128xf32> to vector<1x8x128xf32>
    %reduce_sum3A_90 = arith.constant dense<0.000000e+00> : vector<1xf32>
    %reduce_sum3A_91 = vector.multi_reduction <add>, %reduce_sum3A_89, %reduce_sum3A_90 [1, 2] : vector<1x8x128xf32> to vector<1xf32>
    %reduce_sum3A_92 = vector.shape_cast %reduce_sum3A_91 : vector<1xf32> to vector<1x1x1xf32>
    %reduce_sum3A_93 = vector.extract %reduce_sum3A_92[0, 0, 0] : f32 from vector<1x1x1xf32>
    %swap3A = arith.constant 0 : index
    %swap3A_94 = arith.constant 0 : index
    %swap3A_95 = memref.load %arg1[%swap3A, %swap3A_94] : memref<1x1xf32, #tpu.memory_space<smem>>
    memref.store %reduce_sum3A_93, %arg1[%swap3A, %swap3A_94] : memref<1x1xf32, #tpu.memory_space<smem>>
    return
  }
}

</mosaic_0001>

<sc_bundles>
// kernel: kernel.4.cloned.1.call-start
scs
__scs_entry_jumppad:
0x0: {  	(pc) =	sbr.rel $0x88, $3  }
0x1: {  	(tag) =	ssettag $0x0;
	lr =	simm.s32 $0x1  }
0x2: {  	[smem:$0x3F9F] =	sst lr;
	_ =	strace $0xD0000000  }
0x3: {  	_ = 	snop  }
0x4: {  	_ = 	snop  }
0x5: {  	_ = 	snop  }
0x6: {  	_ = 	snop  }
0x7: {  	_ = 	snop  }
__scs_overlays_trampoline_lowered:
0x8: {  	[smem:$0x3FAE] =	sst s0  }
0x9: {  	[smem:$0x3FAF] =	sst s1  }
0xa: {  	[smem:$0x3FB0] =	sst s2  }
0xb: {  	[smem:$0x3FB1] =	sst s3  }
0xc: {  	[smem:$0x3FB2] =	sst s4  }
0xd: {  	[smem:$0x3FB3] =	sst s5  }
0xe: {  	[smem:$0x3FB4] =	sst s6  }
0xf: {  	[smem:$0x3FB5] =	sst s7  }
0x10: {  	[smem:$0x3FB6] =	sst s8  }
0x11: {  	[smem:$0x3FB7] =	sst s9;
	s0 =	simm.s32 @!p0 $0x0  }
0x12: {  	s1 =	sld [smem:$0x3F9D];
	s0 =	simm.s32 @p0 $0x1  }
0x13: {  	[smem:$0x3FB8] =	sst s0;
	s0 =	simm.s32 @!p1 $0x0  }
0x14: {  	s2 =	sld [smem:$0x3F9C];
	s0 =	simm.s32 @p1 $0x1  }
0x15: {  	[smem:$0x3FB9] =	sst s0;
	s0 =	simm.s32 @!p2 $0x0  }
0x16: {  	s3 =	sld [smem:$0x3FDB];
	s0 =	simm.s32 @p2 $0x1  }
0x17: {  	s4 =	simm.s32 $0x1BF5;
	[smem:$0x3FBB] =	sst s0  }
0x18: {  	s0 =	sld [smem:$0x3F9E];
	_ =	swait.ge [sflag:s4], $0x0  }
0x19: {  	s7 =	sld [smem:$0x3F9F]  }
0x1a: {  	s8 =	sadd.s32 $0xFFFFE003, lr  }
0x1b: {  	s9 =	sadd.s32 $0xFFFFFEF7, lr;
	s5 =	simm.s32 $0xFFFFFFFF;
	p2 =	slt.u32 s8, $0xFFFFF086  }
0x1c: {  	p1 =	slt.u32 s9, $0xF7A;
	s5 =	simm.s32 @!p2 $0x0  }
0x1d: {  	s5 =	simm.s32 @p1 $0x1;
	p0 =	seq.s32 s7, s2  }
0x1e: {  	s7 =	smul.u32 @!p0 $0xF7A, s2;
	p2 =	seq.s32 @!p0 s5, $0x0  }
0x1f: {  	s9 =	smul.u32 $0xF7A, s1;
	s8 =	simm.s32 @!p0 $0x1BF5;
	p2 =	por !p2, p0  }
0x20: {  	[sflag:s8] =	ssyncset.s32 @!p0 $0xFFFFF086;
	s6 =	sadd.s32 @!p0 s3, s7;
	s7 =	simm.s32 @!p0 $0x108  }
0x21: {  	s3 =	sadd.s32 s3, s9;
	s6 =	sadd.s32 @!p0 $0x88, s6;
	s7 =	simm.s32 @p2 $0x1082  }
0x22: {  	[simem:s7], [sflag:s8] =	dma.local @!p0 [hbm:s6], $0xF7A  }
0x23: {  	s9 =	sor.u32 $0xD0000000, s2;
	s6 =	simm.s32 $0x108;
	_ =	swait.ge @!p0 [sflag:s8], $0x0  }
0x24: {  	s3 =	sadd.s32 $0x88, s3;
	s6 =	simm.s32 @!p1 $0x1082;
	[sflag:s4] =	ssyncset.s32 $0xFFFFF086  }
0x25: {  	[simem:s6], [sflag:s4] =	dma.local [hbm:s3], $0xF7A  }
0x26: {  	[smem:$0x3F9F] =	sst s1;
	(tag) =	ssettag s2;
	_ =	strace s9  }
0x27: {  	s1 =	sld [smem:$0x3FAF]  }
0x28: {  	s2 =	sld [smem:$0x3FB0]  }
0x29: {  	s4 =	sld [smem:$0x3FB2]  }
0x2a: {  	p0 =	seq.s32 s5, $0x0;
	s5 =	sld [smem:$0x3FB3]  }
0x2b: {  	s6 =	sld [smem:$0x3FB4]  }
0x2c: {  	s7 =	sld [smem:$0x3FB5]  }
0x2d: {  	s3 =	simm.s32 $0x108;
	s8 =	sld [smem:$0x3FB6]  }
0x2e: {  	s3 =	simm.s32 @!p0 $0x1082;
	s9 =	sld [smem:$0x3FB7]  }
0x2f: {  	lr =	sadd.s32 s0, s3;
	s0 =	sld [smem:$0x3FAE]  }
0x30: {  	s3 =	sld [smem:$0x3FB1]  }
0x31: {  	[smem:$0x3FBA] =	sst s10  }
0x32: {  	s10 =	sld [smem:$0x3FB8];
	_ =	sdelay $0x3  }
0x33: {  	p0 =	seq.s32 s10, $0x1;
	s10 =	sld [smem:$0x3FBA];
	_ =	sdelay $0x3  }
0x34: {  	[smem:$0x3FBA] =	sst s10  }
0x35: {  	s10 =	sld [smem:$0x3FB9];
	_ =	sdelay $0x3  }
0x36: {  	p1 =	seq.s32 s10, $0x1;
	s10 =	sld [smem:$0x3FBA];
	_ =	sdelay $0x3  }
0x37: {  	[smem:$0x3FBA] =	sst s10  }
0x38: {  	s10 =	sld [smem:$0x3FBB]  }
0x39: {  	_ = 	snop;
	(pc) =	sbr.ind lr, $3  }
0x3a: {  	_ = 	snop  }
0x3b: {  	_ = 	snop  }
0x3c: {  	p2 =	seq.s32 s10, $0x1;
	s10 =	sld [smem:$0x3FBA]  }
0x3d: {  	_ =	shalt  }
0x3e: {  	_ =	shalt  }
0x3f: {  	_ =	shalt  }
0x40: {  	_ =	shalt  }
0x41: {  	_ =	shalt  }
0x42: {  	_ =	shalt  }
0x43: {  	_ =	shalt  }
0x44: {  	_ =	shalt  }
0x45: {  	_ =	shalt  }
0x46: {  	_ =	shalt  }
0x47: {  	_ =	shalt  }
0x48: {  	_ =	shalt  }
0x49: {  	_ =	shalt  }
0x4a: {  	_ =	shalt  }
0x4b: {  	_ =	shalt  }
0x4c: {  	_ =	shalt  }
0x4d: {  	_ =	shalt  }
0x4e: {  	_ =	shalt  }
0x4f: {  	_ =	shalt  }
0x50: {  	_ =	shalt  }
0x51: {  	_ =	shalt  }
0x52: {  	_ =	shalt  }
0x53: {  	_ =	shalt  }
0x54: {  	_ =	shalt  }
0x55: {  	_ =	shalt  }
0x56: {  	_ =	shalt  }
0x57: {  	_ =	shalt  }
0x58: {  	_ =	shalt  }
0x59: {  	_ =	shalt  }
0x5a: {  	_ =	shalt  }
0x5b: {  	_ =	shalt  }
0x5c: {  	_ =	shalt  }
0x5d: {  	_ =	shalt  }
0x5e: {  	_ =	shalt  }
0x5f: {  	_ =	shalt  }
0x60: {  	_ =	shalt  }
0x61: {  	_ =	shalt  }
0x62: {  	_ =	shalt  }
0x63: {  	_ =	shalt  }
0x64: {  	_ =	shalt  }
0x65: {  	_ =	shalt  }
0x66: {  	_ =	shalt  }
0x67: {  	_ =	shalt  }
0x68: {  	_ =	shalt  }
0x69: {  	_ =	shalt  }
0x6a: {  	_ =	shalt  }
0x6b: {  	_ =	shalt  }
0x6c: {  	_ =	shalt  }
0x6d: {  	_ =	shalt  }
0x6e: {  	_ =	shalt  }
0x6f: {  	_ =	shalt  }
0x70: {  	_ =	shalt  }
0x71: {  	_ =	shalt  }
0x72: {  	_ =	shalt  }
0x73: {  	_ =	shalt  }
0x74: {  	_ =	shalt  }
0x75: {  	_ =	shalt  }
0x76: {  	_ =	shalt  }
0x77: {  	_ =	shalt  }
0x78: {  	_ =	shalt  }
0x79: {  	_ =	shalt  }
0x7a: {  	_ =	shalt  }
0x7b: {  	_ =	shalt  }
0x7c: {  	_ =	shalt  }
0x7d: {  	_ =	shalt  }
0x7e: {  	_ =	shalt  }
0x7f: {  	_ =	shalt  }
0x80: {  	_ =	shalt  }
0x81: {  	_ =	shalt  }
0x82: {  	_ =	shalt  }
0x83: {  	_ =	shalt  }
0x84: {  	_ =	shalt  }
0x85: {  	_ =	shalt  }
0x86: {  	_ =	shalt  }
0x87: {  	_ =	shalt  }
.Lfunc_end0:
.L_simem_size_0:
called_computation_lowered:
.L_overlay_start_0:
0x88: {  	s2 =	sld [smem:$0x3FD9]  }
0x89: {  	s3 =	sld [smem:$0x3FFE];
	_ =	sdelay $0x1  }
0x8a: {  	s1 =	srdreg.scid  }
0x8b: {  	s0 =	sand.u32 $0x1, s1  }
0x8c: {  	s17 =	sshll.u32 s0, $0xA;
	s2 =	sadd.s32 s3, s2  }
0x8d: {  	s2 =	sadd.s32 s2, s17  }
0x8e: {  	[smem:$0x3FC6] =	sst s2  }
0x8f: {  	_ = 	snop  }
0x90: {  	s2 =	sld [smem:$0x3FC9]  }
0x91: {  	s18 =	sld [smem:$0x3FC8];
	(tm) =	ssettm $0x1  }
0x92: {  	s4 =	sld [smem:$0x3FFB];
	_ =	sdelay $0x3  }
0x93: {  	_ =	strace s4  }
0x94: {  	s4 =	sld [smem:$0x3FFC];
	_ =	sdelay $0x3  }
0x95: {  	_ =	strace s4  }
0x96: {  	s4 =	sld [smem:$0x3FFD];
	_ =	sdelay $0x3  }
0x97: {  	_ =	strace s4  }
0x98: {  	_ =	strace $0x8FFFFFFF  }
0x99: {  	s19 =	sld [smem:$0x3FDB];
	_ =	sdelay $0x1  }
0x9a: {  	s5 =	simm.s32 $_scs_section_size  }
0x9b: {  	s6 =	simm.s32 $_size__tile_overlayer_lowered;
	s7 =	simm.s32 $_tile_overlayer_lowered  }
0x9c: {  	s22 =	simm.s32 $0x1BFF;
	s21 =	sshll.u32 s7, $0x1;
	s4 =	sadd.s32 s5, s19  }
0x9d: {  	s8 =	simm.s32 $0x0;
	s20 =	sshll.u32 s6, $0x1;
	s6 =	sadd.s32 s21, s4  }
0x9e: {  	[timem:s8], [sflag:s22] =	dma.local [hbm:s6], s20  }
0x9f: {  	_ =	swait.ge [sflag:s22], s20  }
0xa0: {  	s5 =	ssub.s32 $0x0, s20;
	[sflag:s22] =	ssyncset.done $0x0  }
0xa1: {  	[sflag:s22] =	ssyncadd.s32 s5;
	_ =	sdelay $0x1  }
0xa2: {  	s23 =	simm.s32 $0x1B8B  }
0xa3: {  	_ =	swait.ge [sflag:s23], $0x1  }
0xa4: {  	[sflag:s23] =	ssyncset.done $0x0  }
0xa5: {  	s25 =	simm.s32 $0x1B8E;
	s24 =	sld [smem:$0x3FFE];
	[sflag:s23] =	ssyncadd.s32 $0xFFFFFFFF  }
0xa6: {  	s26 =	simm.s32 $execute0_lowered;
	[smem:$0x3FD2] =	sst s25  }
0xa7: {  	s6 =	sshll.u32 s26, $0x1;
	_ =	strace $0x80000046;
	[dreg:$0x1] =	wrdreg $0xFFFFFFFF  }
0xa8: {  	s28 =	simm.s32 $_size_execute0_lowered;
	s4 =	sadd.s32 s4, s6;
	[dreg:$0x0] =	wrdreg $0x0  }
0xa9: {  	s6 =	sshll.u32 s28, $0x1;
	[dreg:$0x2] =	wrdreg s4  }
0xaa: {  	[dreg:$0x3] =	wrdreg s6  }
0xab: {  	[dreg:$0x4] =	wrdreg $0xC0  }
0xac: {  	_ =	task [dreg:s8], $0x5FFFF  }
0xad: {  	[dreg:$0x1] =	wrdreg $0xFFFFFFFF  }
0xae: {  	[dreg:$0x0] =	wrdreg $0x60  }
0xaf: {  	[dreg:$0x2] =	wrdreg s2  }
0xb0: {  	[dreg:$0x3] =	wrdreg s18  }
0xb1: {  	[dreg:$0x4] =	wrdreg s24  }
0xb2: {  	[dreg:$0x5] =	wrdreg $0x9  }
0xb3: {  	_ =	task.clear_ibuf [dreg:s8], $0x6FFFF;
	_ =	strace $0x90000046  }
0xb4: {  	s29 =	simm.s32 $0x9;
	_ =	strace $0x80000048  }
0xb5: {  	_ =	swait.ge [sflag:s29], $0x1  }
0xb6: {  	[sflag:s29] =	ssyncadd.s32 $0xFFFFFFFF  }
0xb7: {  	_ =	strace $0x90000048  }
0xb8: {  	_ =	sfence  }
0xb9: {  	s30 =	sld [smem:$0x0];
	_ =	sdelay $0x2  }
0xba: {  	s31 =	sshll.u32 s1, $0xD;
	s1 =	sshrl.u32 s1, $0x2  }
0xbb: {  	s3 =	sand.u32 $0x4000, s31;
	s1 =	sadd.s32 s1, s30  }
0xbc: {  	s0 =	sor.u32 s3, s0;
	s1 =	sshll.u32 s1, $0x11  }
0xbd: {  	s0 =	sor.u32 s1, s0  }
0xbe: {  	s0 =	sadd.s32 $0x8F2B, s0  }
0xbf: {  	[sflag:s0] =	ssyncadd.remote.s32 $0x1  }
0xc0: {  	_ =	sfence.sel $0xFFFF  }
0xc1: {  	[dreg:$0x0] =	wrdreg $0xFFFFFFFF;
	(pc) =	sbr.abs _section_cstart, $3  }
0xc2: {  	[dreg:$0x1] =	wrdreg $0xFFFFFFFF  }
0xc3: {  	_ =	task.clear_ibuf [dreg:s8], $0x2FFFF;
	_ =	strace $0x9FFFFFFF  }
0xc4: {  	(tm) =	ssettm $0x7FFFFFFF  }
0xc5: {  	_ =	shalt  }
tec
execute0_lowered:
.L_overlay_start_1:
0x0: {  	(tag) =	ssettag $0x1  }
0x1: {  	s0 =	rddreg [dreg:$0x0]  }
0x2: {  	s10 =	rddreg [dreg:$0x1]  }
0x3: {  	s3 =	rddreg [dreg:$0x2];
	s4 =	srdreg.scid  }
0x4: {  	s1 =	stileid.u32;
	s2 =	simm.s32 $0x0;
	s15 =	simm.s32 $0xC000  }
0x5: {  	s16 =	simm.s32 $0x1;
	s17 =	simm.s32 $0x2;
	s18 =	simm.s32 $0x10000  }
0x6: {  	s19 =	simm.s32 $0x3;
	s20 =	simm.s32 $0x4;
	s22 =	simm.s32 $0x5  }
0x7: {  	s23 =	simm.s32 $0x0;
	s4 =	sand.u32 $0x1, s4;
	s5 =	sshll.u32 s1, $0x1  }
0x8: {  	[smem:$0x7FF] =	sst s2;
	s1 =	simm.s32 $0x4000;
	s5 =	sor.u32 s4, s5  }
0x9: {  	s4 =	ssub.s32 $0x2, s4;
	_ =	strace $0x80000047;
	s6 =	sshll.u32 s5, $0x8  }
0xa: {  	s7 =	sshrl.u32 s4, $0x1;
	s9 =	sshll.u32 s5, $0xD;
	s11 =	sadd.s32 s6, s3  }
0xb: {  	s12 =	ssub.s32 s4, s7;
	s3 =	sadd.s32 s0, s9;
	s4 =	sadd.s32 s10, s9  }
0xc: {  	s31 =	sor.u32 $0x800, s9;
	s8 =	sor.u32 $0x1000, s9;
	s13 =	sor.u32 $0x1800, s9  }
0xd: {  	s5 =	sadd.s32 s0, s31;
	s6 =	sadd.s32 s10, s31;
	s7 =	sadd.s32 s0, s8  }
0xe: {  	v1 =	vlaneseq.u32;
	s8 =	sadd.s32 s10, s8;
	s9 =	sadd.s32 s0, s13;
	s10 =	sadd.s32 s10, s13  }
0xf: {  	v0 =	vimm.f32 $0.0e+00;
	v2 =	vimm.f32 $1.000000000e+00;
	v1 =	vmul.u32 $0x800, v1;
	s11 =	sadd.s32 $0x600, s11;
	s12 =	smax.u32 s12, $0x1;
	s13 =	simm.s32 $0x8000  }
.LBB2_1:
0x10: {  	[tilespmem:s2], [sflag:$0x1] =	stream.linear.gather [hbm4b:s3+s2], $0x4000, $0x38;
	[tilespmem:$0x18800] =	vst v63  }
0x11: {  	s24 =	simm.s32 $0x10040  }
0x12: {  	[tilespmem:s1], [sflag:$0x2] =	stream.linear.gather [hbm4b:s4+s2], $0x4000, $0x38;
	[tilespmem:$0x18800] =	vst v63  }
0x13: {  	[tilespmem:s24+$0xFFFFFFC0] =	vst v0  }
0x14: {  	[tilespmem:s24+$0x30] =	vst v0  }
0x15: {  	[tilespmem:s24+$0x20] =	vst v0  }
0x16: {  	[tilespmem:s24+$0x10] =	vst v0  }
0x17: {  	[tilespmem:s24+$0x0] =	vst v0  }
0x18: {  	[tilespmem:s24+$0xFFFFFFF0] =	vst v0  }
0x19: {  	s25 =	simm.s32 $0x0;
	[tilespmem:s24+$0xFFFFFFE0] =	vst v0  }
.LBB2_2:
0x1a: {  	s25 =	sadd.s32 $0x8, s25;
	[tilespmem:s24+$0xFFFFFFD0] =	vst v0;
	s24 =	sadd.s32 $0x80, s24  }
0x1b: {  	[tilespmem:s24+$0xFFFFFFC0] =	vst v0;
	p0 =	slt.u32 s25, $0x7F8  }
0x1c: {  	[tilespmem:s24+$0x30] =	vst v0  }
.Ltmp0:
0x1d: {  	[tilespmem:s24+$0x20] =	vst v0;
	(pc) =	sbr.rel @p0 .LBB2_2-.Ltmp0, $4  }
0x1e: {  	[tilespmem:s24+$0x10] =	vst v0  }
0x1f: {  	[tilespmem:s24+$0x0] =	vst v0  }
0x20: {  	[tilespmem:s24+$0xFFFFFFF0] =	vst v0  }
0x21: {  	[tilespmem:s24+$0xFFFFFFE0] =	vst v0  }
0x22: {  	[tilespmem:s24+$0xFFFFFFD0] =	vst v0  }
0x23: {  	[tilespmem:s13], [sflag:$0x3] =	stream.linear.gather [hbm4b:s5+s2], $0x4000, $0x38;
	[tilespmem:$0x18800] =	vst v63  }
0x24: {  	_ = 	snop  }
0x25: {  	[tilespmem:s15], [sflag:$0x4] =	stream.linear.gather [hbm4b:s6+s2], $0x4000, $0x38;
	[tilespmem:$0x18800] =	vst v63  }
0x26: {  	_ =	swait.ge [sflag:s16], $0x4000  }
0x27: {  	[sflag:s16] =	ssyncset.done $0x0  }
0x28: {  	[sflag:s16] =	ssyncadd.s32 $0xFFFFC000  }
0x29: {  	_ =	swait.ge [sflag:s17], $0x4000  }
0x2a: {  	[sflag:s17] =	ssyncset.done $0x0  }
0x2b: {  	s0 =	simm.s32 $0x40;
	[sflag:s17] =	ssyncadd.s32 $0xFFFFC000  }
0x2c: {  	v3 =	vld [tilespmem:s0+$0x30]  }
0x2d: {  	v4 =	vld [tilespmem:s0+$0xFFFFFFD0]  }
0x2e: {  	v5 =	vld [tilespmem:s0+$0xFFFFFFE0]  }
0x2f: {  	v6 =	vld [tilespmem:s0+$0xFFFFFFF0]  }
0x30: {  	v7 =	vld [tilespmem:s0+$0x0]  }
0x31: {  	v8 =	vld [tilespmem:s0+$0x10]  }
0x32: {  	s24 =	simm.s32 $0x4040;
	v9 =	vld [tilespmem:s0+$0x20]  }
0x33: {  	v10 =	vld [tilespmem:s24+$0x30]  }
0x34: {  	v11 =	vld [tilespmem:s0+$0xFFFFFFC0]  }
0x35: {  	v3 =	vmul.f32 $6.400000000e+01, v3;
	v4 =	vmul.f32 $6.400000000e+01, v4  }
0x36: {  	v5 =	vmul.f32 $6.400000000e+01, v5;
	v6 =	vmul.f32 $6.400000000e+01, v6  }
0x37: {  	v7 =	vmul.f32 $6.400000000e+01, v7;
	v8 =	vmul.f32 $6.400000000e+01, v8  }
0x38: {  	v9 =	vmul.f32 $6.400000000e+01, v9;
	v10 =	vshll.u32 v10, $0xA;
	v3 =	vadd.f32 $5.120000000e+02, v3  }
0x39: {  	v11 =	vmul.f32 $6.400000000e+01, v11;
	v10 =	vadd.s32 v1, v10;
	v4 =	vadd.f32 $5.120000000e+02, v4  }
0x3a: {  	v5 =	vadd.f32 $5.120000000e+02, v5;
	v6 =	vadd.f32 $5.120000000e+02, v6;
	v3 =	vmax.f32 v3, $0.0e+00  }
0x3b: {  	v7 =	vadd.f32 $5.120000000e+02, v7;
	v8 =	vadd.f32 $5.120000000e+02, v8;
	v3 =	vmin.f32 v3, $1.023000000e+03  }
0x3c: {  	v9 =	vadd.f32 $5.120000000e+02, v9;
	v11 =	vadd.f32 $5.120000000e+02, v11;
	v3 =	vtrunc.f32 v3  }
0x3d: {  	v4 =	vmax.f32 v4, $0.0e+00;
	v5 =	vmax.f32 v5, $0.0e+00;
	v3 =	vcvt.f32.s32 v3  }
0x3e: {  	v12 =	vld [tilespmem:s24+$0xFFFFFFD0];
	v6 =	vmax.f32 v6, $0.0e+00;
	v7 =	vmax.f32 v7, $0.0e+00;
	v8 =	vmax.f32 v8, $0.0e+00  }
0x3f: {  	v9 =	vmax.f32 v9, $0.0e+00;
	v11 =	vmax.f32 v11, $0.0e+00;
	v10 =	vor.u32 v3, v10;
	v3 =	vld [tilespmem:s24+$0xFFFFFFC0]  }
0x40: {  	v13 =	vld [tilespmem:s24+$0xFFFFFFE0];
	v4 =	vmin.f32 v4, $1.023000000e+03;
	v14 =	vmin.f32 v5, $1.023000000e+03;
	v15 =	vmin.f32 v6, $1.023000000e+03  }
0x41: {  	v17 =	vld [tilespmem:s24+$0xFFFFFFF0];
	v5 =	vmin.f32 v11, $1.023000000e+03;
	v7 =	vmin.f32 v7, $1.023000000e+03;
	v8 =	vmin.f32 v8, $1.023000000e+03  }
0x42: {  	v19 =	vmin.f32 v9, $1.023000000e+03;
	v11 =	vtrunc.f32 v5;
	v18 =	vtrunc.f32 v4;
	v5 =	vld [tilespmem:s24+$0x0]  }
0x43: {  	v9 =	vshll.u32 v12, $0xA;
	v20 =	vtrunc.f32 v14;
	v14 =	vtrunc.f32 v15;
	v4 =	vld [tilespmem:s24+$0x10]  }
0x44: {  	v16 =	vtrunc.f32 v7;
	v12 =	vtrunc.f32 v8;
	v6 =	vshll.u32 v3, $0xA;
	v3 =	vld [tilespmem:s24+$0x20]  }
0x45: {  	v8 =	vcvt.f32.s32 v11;
	v11 =	vshll.u32 v13, $0xA;
	v13 =	vtrunc.f32 v19  }
0x46: {  	s25 =	simm.s32 $0x0;
	s26 =	simm.s32 $0xC0;
	v15 =	vshll.u32 v17, $0xA;
	v7 =	vcvt.f32.s32 v20;
	[tilespmem:v10+s18+$0x0] =	vst.idx.add.f32.msk $0xffff, v2;
	v10 =	vcvt.f32.s32 v18  }
.LBB2_4:
0x47: {  	v17 =	vld [tilespmem:s26+$0x30];
	s25 =	sadd.s32 $0x8, s25;
	v14 =	vcvt.f32.s32 v14;
	v16 =	vcvt.f32.s32 v16;
	v5 =	vshll.u32 v5, $0xA  }
0x48: {  	v12 =	vcvt.f32.s32 v12;
	v4 =	vshll.u32 v4, $0xA;
	v13 =	vcvt.f32.s32 v13;
	v18 =	vld [tilespmem:s26+$0xFFFFFFD0];
	p0 =	slt.u32 s25, $0x3F8  }
0x49: {  	v6 =	vadd.s32 v1, v6;
	v9 =	vadd.s32 v1, v9;
	v3 =	vshll.u32 v3, $0xA;
	v19 =	vld [tilespmem:s26+$0xFFFFFFE0]  }
0x4a: {  	v11 =	vadd.s32 v1, v11;
	v15 =	vadd.s32 v1, v15;
	v5 =	vadd.s32 v1, v5;
	v20 =	vld [tilespmem:s26+$0xFFFFFFF0]  }
0x4b: {  	v6 =	vor.u32 v8, v6;
	v4 =	vadd.s32 v1, v4;
	v3 =	vadd.s32 v1, v3;
	v21 =	vld [tilespmem:s26+$0x0]  }
0x4c: {  	v9 =	vor.u32 v10, v9;
	v7 =	vor.u32 v7, v11;
	v8 =	vld [tilespmem:s26+$0x10];
	v17 =	vmul.f32 $6.400000000e+01, v17  }
0x4d: {  	s24 =	sadd.s32 $0x80, s24;
	v15 =	vor.u32 v14, v15;
	v10 =	vmul.f32 $6.400000000e+01, v18;
	v11 =	vld [tilespmem:s26+$0x20];
	v18 =	vor.u32 v16, v5  }
0x4e: {  	v5 =	vmul.f32 $6.400000000e+01, v19;
	v14 =	vld [tilespmem:s24+$0x30];
	v16 =	vadd.f32 $5.120000000e+02, v17;
	v17 =	vor.u32 v12, v4  }
0x4f: {  	v19 =	vor.u32 v13, v3;
	v4 =	vld [tilespmem:s26+$0xFFFFFFC0];
	v10 =	vadd.f32 $5.120000000e+02, v10;
	v12 =	vmul.f32 $6.400000000e+01, v20  }
0x50: {  	v13 =	vld [tilespmem:s24+$0xFFFFFFC0];
	v3 =	vadd.f32 $5.120000000e+02, v5;
	v5 =	vmul.f32 $6.400000000e+01, v21;
	v16 =	vmax.f32 v16, $0.0e+00  }
0x51: {  	v20 =	vld [tilespmem:s24+$0xFFFFFFD0];
	v12 =	vadd.f32 $5.120000000e+02, v12;
	v8 =	vmul.f32 $6.400000000e+01, v8;
	v16 =	vmin.f32 v16, $1.023000000e+03  }
0x52: {  	v21 =	vld [tilespmem:s24+$0xFFFFFFE0];
	v22 =	vadd.f32 $5.120000000e+02, v5;
	v11 =	vmul.f32 $6.400000000e+01, v11;
	v5 =	vtrunc.f32 v16  }
0x53: {  	v23 =	vld [tilespmem:s24+$0xFFFFFFF0];
	v8 =	vadd.f32 $5.120000000e+02, v8;
	v16 =	vcvt.f32.s32 v5;
	v14 =	vshll.u32 v14, $0xA  }
0x54: {  	v24 =	vmul.f32 $6.400000000e+01, v4;
	v5 =	vld [tilespmem:s24+$0x0];
	v11 =	vadd.f32 $5.120000000e+02, v11;
	v14 =	vadd.s32 v1, v14  }
0x55: {  	v10 =	vmax.f32 v10, $0.0e+00;
	v25 =	vmax.f32 v3, $0.0e+00;
	v4 =	vld [tilespmem:s24+$0x10];
	v14 =	vor.u32 v16, v14  }
0x56: {  	v12 =	vmax.f32 v12, $0.0e+00;
	v22 =	vmax.f32 v22, $0.0e+00;
	v16 =	vadd.f32 $5.120000000e+02, v24;
	v3 =	vld [tilespmem:s24+$0x20]  }
0x57: {  	v10 =	vmin.f32 v10, $1.023000000e+03;
	v8 =	vmax.f32 v8, $0.0e+00;
	v11 =	vmax.f32 v11, $0.0e+00;
	[tilespmem:v6+s18+$0x0] =	vst.idx.add.f32.msk $0xffff, v2  }
0x58: {  	v12 =	vmin.f32 v12, $1.023000000e+03;
	v6 =	vmax.f32 v16, $0.0e+00;
	v16 =	vmin.f32 v25, $1.023000000e+03;
	[tilespmem:v9+s18+$0x0] =	vst.idx.add.f32.msk $0xffff, v2  }
0x59: {  	v22 =	vmin.f32 v22, $1.023000000e+03;
	v8 =	vmin.f32 v8, $1.023000000e+03;
	v6 =	vmin.f32 v6, $1.023000000e+03;
	[tilespmem:v7+s18+$0x0] =	vst.idx.add.f32.msk $0xffff, v2  }
.Ltmp1:
0x5a: {  	v10 =	vtrunc.f32 v10;
	v24 =	vmin.f32 v11, $1.023000000e+03;
	v7 =	vtrunc.f32 v6;
	[tilespmem:v14+s18+$0x0] =	vst.idx.add.f32.msk $0xffff, v2;
	(pc) =	sbr.rel @p0 .LBB2_4-.Ltmp1, $4  }
0x5b: {  	v25 =	vtrunc.f32 v16;
	v6 =	vshll.u32 v13, $0xA;
	v14 =	vtrunc.f32 v12;
	[tilespmem:v15+s18+$0x0] =	vst.idx.add.f32.msk $0xffff, v2  }
0x5c: {  	v9 =	vshll.u32 v20, $0xA;
	v16 =	vtrunc.f32 v22;
	v12 =	vtrunc.f32 v8;
	[tilespmem:v18+s18+$0x0] =	vst.idx.add.f32.msk $0xffff, v2  }
0x5d: {  	v11 =	vshll.u32 v21, $0xA;
	v13 =	vtrunc.f32 v24;
	v8 =	vcvt.f32.s32 v7;
	[tilespmem:v17+s18+$0x0] =	vst.idx.add.f32.msk $0xffff, v2  }
0x5e: {  	s26 =	sadd.s32 $0x80, s26;
	v10 =	vcvt.f32.s32 v10;
	v7 =	vcvt.f32.s32 v25;
	v15 =	vshll.u32 v23, $0xA;
	[tilespmem:v19+s18+$0x0] =	vst.idx.add.f32.msk $0xffff, v2  }
0x5f: {  	v14 =	vcvt.f32.s32 v14;
	v16 =	vcvt.f32.s32 v16;
	v6 =	vadd.s32 v1, v6  }
0x60: {  	v5 =	vshll.u32 v5, $0xA;
	v9 =	vadd.s32 v1, v9;
	v6 =	vor.u32 v8, v6  }
0x61: {  	v11 =	vadd.s32 v1, v11;
	v4 =	vshll.u32 v4, $0xA;
	v9 =	vor.u32 v10, v9  }
0x62: {  	v3 =	vshll.u32 v3, $0xA;
	v10 =	vadd.s32 v1, v15;
	v7 =	vor.u32 v7, v11  }
0x63: {  	v8 =	vcvt.f32.s32 v12;
	v5 =	vadd.s32 v1, v5;
	v10 =	vor.u32 v14, v10  }
0x64: {  	v11 =	vcvt.f32.s32 v13;
	v4 =	vadd.s32 v1, v4;
	v5 =	vor.u32 v16, v5  }
0x65: {  	v3 =	vadd.s32 v1, v3;
	v4 =	vor.u32 v8, v4;
	[tilespmem:v6+s18+$0x0] =	vst.idx.add.f32.msk $0xffff, v2  }
0x66: {  	v3 =	vor.u32 v11, v3;
	[tilespmem:v9+s18+$0x0] =	vst.idx.add.f32.msk $0xffff, v2  }
0x67: {  	[tilespmem:v7+s18+$0x0] =	vst.idx.add.f32.msk $0xffff, v2  }
0x68: {  	[tilespmem:v10+s18+$0x0] =	vst.idx.add.f32.msk $0xffff, v2  }
0x69: {  	[tilespmem:v5+s18+$0x0] =	vst.idx.add.f32.msk $0xffff, v2  }
0x6a: {  	[tilespmem:v4+s18+$0x0] =	vst.idx.add.f32.msk $0xffff, v2  }
0x6b: {  	[tilespmem:v3+s18+$0x0] =	vst.idx.add.f32.msk $0xffff, v2  }
0x6c: {  	[tilespmem:s2], [sflag:$0x1] =	stream.linear.gather [hbm4b:s7+s2], $0x4000, $0x38;
	[tilespmem:$0x18800] =	vst v63  }
0x6d: {  	_ = 	snop  }
0x6e: {  	[tilespmem:s1], [sflag:$0x2] =	stream.linear.gather [hbm4b:s8+s2], $0x4000, $0x38;
	[tilespmem:$0x18800] =	vst v63  }
0x6f: {  	_ =	swait.ge [sflag:s19], $0x4000  }
0x70: {  	[sflag:s19] =	ssyncset.done $0x0  }
0x71: {  	[sflag:s19] =	ssyncadd.s32 $0xFFFFC000  }
0x72: {  	_ =	swait.ge [sflag:s20], $0x4000  }
0x73: {  	[sflag:s20] =	ssyncset.done $0x0  }
0x74: {  	s0 =	simm.s32 $0x8040;
	[sflag:s20] =	ssyncadd.s32 $0xFFFFC000  }
0x75: {  	v3 =	vld [tilespmem:s0+$0x30]  }
0x76: {  	v4 =	vld [tilespmem:s0+$0xFFFFFFD0]  }
0x77: {  	v5 =	vld [tilespmem:s0+$0xFFFFFFE0]  }
0x78: {  	v6 =	vld [tilespmem:s0+$0xFFFFFFF0]  }
0x79: {  	v7 =	vld [tilespmem:s0+$0x0]  }
0x7a: {  	v8 =	vld [tilespmem:s0+$0x10]  }
0x7b: {  	s24 =	simm.s32 $0xC040;
	v9 =	vld [tilespmem:s0+$0x20]  }
0x7c: {  	v10 =	vld [tilespmem:s24+$0x30]  }
0x7d: {  	v11 =	vld [tilespmem:s0+$0xFFFFFFC0]  }
0x7e: {  	v3 =	vmul.f32 $6.400000000e+01, v3;
	v4 =	vmul.f32 $6.400000000e+01, v4  }
0x7f: {  	v5 =	vmul.f32 $6.400000000e+01, v5;
	v6 =	vmul.f32 $6.400000000e+01, v6  }
0x80: {  	v7 =	vmul.f32 $6.400000000e+01, v7;
	v8 =	vmul.f32 $6.400000000e+01, v8  }
0x81: {  	v9 =	vmul.f32 $6.400000000e+01, v9;
	v10 =	vshll.u32 v10, $0xA;
	v3 =	vadd.f32 $5.120000000e+02, v3  }
0x82: {  	v11 =	vmul.f32 $6.400000000e+01, v11;
	v10 =	vadd.s32 v1, v10;
	v4 =	vadd.f32 $5.120000000e+02, v4  }
0x83: {  	v5 =	vadd.f32 $5.120000000e+02, v5;
	v6 =	vadd.f32 $5.120000000e+02, v6;
	v3 =	vmax.f32 v3, $0.0e+00  }
0x84: {  	v7 =	vadd.f32 $5.120000000e+02, v7;
	v8 =	vadd.f32 $5.120000000e+02, v8;
	v3 =	vmin.f32 v3, $1.023000000e+03  }
0x85: {  	v9 =	vadd.f32 $5.120000000e+02, v9;
	v11 =	vadd.f32 $5.120000000e+02, v11;
	v3 =	vtrunc.f32 v3  }
0x86: {  	v4 =	vmax.f32 v4, $0.0e+00;
	v5 =	vmax.f32 v5, $0.0e+00;
	v3 =	vcvt.f32.s32 v3  }
0x87: {  	v12 =	vld [tilespmem:s24+$0xFFFFFFD0];
	v6 =	vmax.f32 v6, $0.0e+00;
	v7 =	vmax.f32 v7, $0.0e+00;
	v8 =	vmax.f32 v8, $0.0e+00  }
0x88: {  	v9 =	vmax.f32 v9, $0.0e+00;
	v11 =	vmax.f32 v11, $0.0e+00;
	v10 =	vor.u32 v3, v10;
	v3 =	vld [tilespmem:s24+$0xFFFFFFC0]  }
0x89: {  	v13 =	vld [tilespmem:s24+$0xFFFFFFE0];
	v4 =	vmin.f32 v4, $1.023000000e+03;
	v14 =	vmin.f32 v5, $1.023000000e+03;
	v15 =	vmin.f32 v6, $1.023000000e+03  }
0x8a: {  	v17 =	vld [tilespmem:s24+$0xFFFFFFF0];
	v5 =	vmin.f32 v11, $1.023000000e+03;
	v7 =	vmin.f32 v7, $1.023000000e+03;
	v8 =	vmin.f32 v8, $1.023000000e+03  }
0x8b: {  	v19 =	vmin.f32 v9, $1.023000000e+03;
	v11 =	vtrunc.f32 v5;
	v18 =	vtrunc.f32 v4;
	v5 =	vld [tilespmem:s24+$0x0]  }
0x8c: {  	v9 =	vshll.u32 v12, $0xA;
	v20 =	vtrunc.f32 v14;
	v14 =	vtrunc.f32 v15;
	v4 =	vld [tilespmem:s24+$0x10]  }
0x8d: {  	v16 =	vtrunc.f32 v7;
	v12 =	vtrunc.f32 v8;
	v6 =	vshll.u32 v3, $0xA;
	v3 =	vld [tilespmem:s24+$0x20]  }
0x8e: {  	v8 =	vcvt.f32.s32 v11;
	v11 =	vshll.u32 v13, $0xA;
	v13 =	vtrunc.f32 v19  }
0x8f: {  	s25 =	simm.s32 $0x0;
	s26 =	simm.s32 $0x80C0;
	v15 =	vshll.u32 v17, $0xA;
	v7 =	vcvt.f32.s32 v20;
	[tilespmem:v10+s18+$0x0] =	vst.idx.add.f32.msk $0xffff, v2;
	v10 =	vcvt.f32.s32 v18  }
.LBB2_6:
0x90: {  	v17 =	vld [tilespmem:s26+$0x30];
	s25 =	sadd.s32 $0x8, s25;
	v14 =	vcvt.f32.s32 v14;
	v16 =	vcvt.f32.s32 v16;
	v5 =	vshll.u32 v5, $0xA  }
0x91: {  	v12 =	vcvt.f32.s32 v12;
	v4 =	vshll.u32 v4, $0xA;
	v13 =	vcvt.f32.s32 v13;
	v18 =	vld [tilespmem:s26+$0xFFFFFFD0];
	p0 =	slt.u32 s25, $0x3F8  }
0x92: {  	v6 =	vadd.s32 v1, v6;
	v9 =	vadd.s32 v1, v9;
	v3 =	vshll.u32 v3, $0xA;
	v19 =	vld [tilespmem:s26+$0xFFFFFFE0]  }
0x93: {  	v11 =	vadd.s32 v1, v11;
	v15 =	vadd.s32 v1, v15;
	v5 =	vadd.s32 v1, v5;
	v20 =	vld [tilespmem:s26+$0xFFFFFFF0]  }
0x94: {  	v6 =	vor.u32 v8, v6;
	v4 =	vadd.s32 v1, v4;
	v3 =	vadd.s32 v1, v3;
	v21 =	vld [tilespmem:s26+$0x0]  }
0x95: {  	v9 =	vor.u32 v10, v9;
	v7 =	vor.u32 v7, v11;
	v8 =	vld [tilespmem:s26+$0x10];
	v17 =	vmul.f32 $6.400000000e+01, v17  }
0x96: {  	s24 =	sadd.s32 $0x80, s24;
	v15 =	vor.u32 v14, v15;
	v10 =	vmul.f32 $6.400000000e+01, v18;
	v11 =	vld [tilespmem:s26+$0x20];
	v18 =	vor.u32 v16, v5  }
0x97: {  	v5 =	vmul.f32 $6.400000000e+01, v19;
	v14 =	vld [tilespmem:s24+$0x30];
	v16 =	vadd.f32 $5.120000000e+02, v17;
	v17 =	vor.u32 v12, v4  }
0x98: {  	v19 =	vor.u32 v13, v3;
	v4 =	vld [tilespmem:s26+$0xFFFFFFC0];
	v10 =	vadd.f32 $5.120000000e+02, v10;
	v12 =	vmul.f32 $6.400000000e+01, v20  }
0x99: {  	v13 =	vld [tilespmem:s24+$0xFFFFFFC0];
	v3 =	vadd.f32 $5.120000000e+02, v5;
	v5 =	vmul.f32 $6.400000000e+01, v21;
	v16 =	vmax.f32 v16, $0.0e+00  }
0x9a: {  	v20 =	vld [tilespmem:s24+$0xFFFFFFD0];
	v12 =	vadd.f32 $5.120000000e+02, v12;
	v8 =	vmul.f32 $6.400000000e+01, v8;
	v16 =	vmin.f32 v16, $1.023000000e+03  }
0x9b: {  	v21 =	vld [tilespmem:s24+$0xFFFFFFE0];
	v22 =	vadd.f32 $5.120000000e+02, v5;
	v11 =	vmul.f32 $6.400000000e+01, v11;
	v5 =	vtrunc.f32 v16  }
0x9c: {  	v23 =	vld [tilespmem:s24+$0xFFFFFFF0];
	v8 =	vadd.f32 $5.120000000e+02, v8;
	v16 =	vcvt.f32.s32 v5;
	v14 =	vshll.u32 v14, $0xA  }
0x9d: {  	v24 =	vmul.f32 $6.400000000e+01, v4;
	v5 =	vld [tilespmem:s24+$0x0];
	v11 =	vadd.f32 $5.120000000e+02, v11;
	v14 =	vadd.s32 v1, v14  }
0x9e: {  	v10 =	vmax.f32 v10, $0.0e+00;
	v25 =	vmax.f32 v3, $0.0e+00;
	v4 =	vld [tilespmem:s24+$0x10];
	v14 =	vor.u32 v16, v14  }
0x9f: {  	v12 =	vmax.f32 v12, $0.0e+00;
	v22 =	vmax.f32 v22, $0.0e+00;
	v16 =	vadd.f32 $5.120000000e+02, v24;
	v3 =	vld [tilespmem:s24+$0x20]  }
0xa0: {  	v10 =	vmin.f32 v10, $1.023000000e+03;
	v8 =	vmax.f32 v8, $0.0e+00;
	v11 =	vmax.f32 v11, $0.0e+00;
	[tilespmem:v6+s18+$0x0] =	vst.idx.add.f32.msk $0xffff, v2  }
0xa1: {  	v12 =	vmin.f32 v12, $1.023000000e+03;
	v6 =	vmax.f32 v16, $0.0e+00;
	v16 =	vmin.f32 v25, $1.023000000e+03;
	[tilespmem:v9+s18+$0x0] =	vst.idx.add.f32.msk $0xffff, v2  }
0xa2: {  	v22 =	vmin.f32 v22, $1.023000000e+03;
	v8 =	vmin.f32 v8, $1.023000000e+03;
	v6 =	vmin.f32 v6, $1.023000000e+03;
	[tilespmem:v7+s18+$0x0] =	vst.idx.add.f32.msk $0xffff, v2  }
.Ltmp2:
0xa3: {  	v10 =	vtrunc.f32 v10;
	v24 =	vmin.f32 v11, $1.023000000e+03;
	v7 =	vtrunc.f32 v6;
	[tilespmem:v14+s18+$0x0] =	vst.idx.add.f32.msk $0xffff, v2;
	(pc) =	sbr.rel @p0 .LBB2_6-.Ltmp2, $4  }
0xa4: {  	v25 =	vtrunc.f32 v16;
	v6 =	vshll.u32 v13, $0xA;
	v14 =	vtrunc.f32 v12;
	[tilespmem:v15+s18+$0x0] =	vst.idx.add.f32.msk $0xffff, v2  }
0xa5: {  	v9 =	vshll.u32 v20, $0xA;
	v16 =	vtrunc.f32 v22;
	v12 =	vtrunc.f32 v8;
	[tilespmem:v18+s18+$0x0] =	vst.idx.add.f32.msk $0xffff, v2  }
0xa6: {  	v11 =	vshll.u32 v21, $0xA;
	v13 =	vtrunc.f32 v24;
	v8 =	vcvt.f32.s32 v7;
	[tilespmem:v17+s18+$0x0] =	vst.idx.add.f32.msk $0xffff, v2  }
0xa7: {  	s26 =	sadd.s32 $0x80, s26;
	v10 =	vcvt.f32.s32 v10;
	v7 =	vcvt.f32.s32 v25;
	v15 =	vshll.u32 v23, $0xA;
	[tilespmem:v19+s18+$0x0] =	vst.idx.add.f32.msk $0xffff, v2  }
0xa8: {  	v14 =	vcvt.f32.s32 v14;
	v16 =	vcvt.f32.s32 v16;
	v6 =	vadd.s32 v1, v6  }
0xa9: {  	v5 =	vshll.u32 v5, $0xA;
	v9 =	vadd.s32 v1, v9;
	v6 =	vor.u32 v8, v6  }
0xaa: {  	v11 =	vadd.s32 v1, v11;
	v4 =	vshll.u32 v4, $0xA;
	v9 =	vor.u32 v10, v9  }
0xab: {  	v3 =	vshll.u32 v3, $0xA;
	v10 =	vadd.s32 v1, v15;
	v7 =	vor.u32 v7, v11  }
0xac: {  	v8 =	vcvt.f32.s32 v12;
	v5 =	vadd.s32 v1, v5;
	v10 =	vor.u32 v14, v10  }
0xad: {  	v11 =	vcvt.f32.s32 v13;
	v4 =	vadd.s32 v1, v4;
	v5 =	vor.u32 v16, v5  }
0xae: {  	v3 =	vadd.s32 v1, v3;
	v4 =	vor.u32 v8, v4;
	[tilespmem:v6+s18+$0x0] =	vst.idx.add.f32.msk $0xffff, v2  }
0xaf: {  	v3 =	vor.u32 v11, v3;
	[tilespmem:v9+s18+$0x0] =	vst.idx.add.f32.msk $0xffff, v2  }
0xb0: {  	[tilespmem:v7+s18+$0x0] =	vst.idx.add.f32.msk $0xffff, v2  }
0xb1: {  	[tilespmem:v10+s18+$0x0] =	vst.idx.add.f32.msk $0xffff, v2  }
0xb2: {  	[tilespmem:v5+s18+$0x0] =	vst.idx.add.f32.msk $0xffff, v2  }
0xb3: {  	[tilespmem:v4+s18+$0x0] =	vst.idx.add.f32.msk $0xffff, v2  }
0xb4: {  	[tilespmem:v3+s18+$0x0] =	vst.idx.add.f32.msk $0xffff, v2  }
0xb5: {  	[tilespmem:s13], [sflag:$0x3] =	stream.linear.gather [hbm4b:s9+s2], $0x4000, $0x38;
	[tilespmem:$0x18800] =	vst v63  }
0xb6: {  	_ = 	snop  }
0xb7: {  	[tilespmem:s15], [sflag:$0x4] =	stream.linear.gather [hbm4b:s10+s2], $0x4000, $0x38;
	[tilespmem:$0x18800] =	vst v63  }
0xb8: {  	_ =	swait.ge [sflag:s16], $0x4000  }
0xb9: {  	[sflag:s16] =	ssyncset.done $0x0  }
0xba: {  	[sflag:s16] =	ssyncadd.s32 $0xFFFFC000  }
0xbb: {  	_ =	swait.ge [sflag:s17], $0x4000  }
0xbc: {  	[sflag:s17] =	ssyncset.done $0x0  }
0xbd: {  	s0 =	simm.s32 $0x40;
	[sflag:s17] =	ssyncadd.s32 $0xFFFFC000  }
0xbe: {  	v3 =	vld [tilespmem:s0+$0x30]  }
0xbf: {  	v4 =	vld [tilespmem:s0+$0xFFFFFFD0]  }
0xc0: {  	v5 =	vld [tilespmem:s0+$0xFFFFFFE0]  }
0xc1: {  	v6 =	vld [tilespmem:s0+$0xFFFFFFF0]  }
0xc2: {  	v7 =	vld [tilespmem:s0+$0x0]  }
0xc3: {  	v8 =	vld [tilespmem:s0+$0x10]  }
0xc4: {  	s24 =	simm.s32 $0x4040;
	v9 =	vld [tilespmem:s0+$0x20]  }
0xc5: {  	v10 =	vld [tilespmem:s24+$0x30]  }
0xc6: {  	v11 =	vld [tilespmem:s0+$0xFFFFFFC0]  }
0xc7: {  	v3 =	vmul.f32 $6.400000000e+01, v3;
	v4 =	vmul.f32 $6.400000000e+01, v4  }
0xc8: {  	v5 =	vmul.f32 $6.400000000e+01, v5;
	v6 =	vmul.f32 $6.400000000e+01, v6  }
0xc9: {  	v7 =	vmul.f32 $6.400000000e+01, v7;
	v8 =	vmul.f32 $6.400000000e+01, v8  }
0xca: {  	v9 =	vmul.f32 $6.400000000e+01, v9;
	v10 =	vshll.u32 v10, $0xA;
	v3 =	vadd.f32 $5.120000000e+02, v3  }
0xcb: {  	v11 =	vmul.f32 $6.400000000e+01, v11;
	v10 =	vadd.s32 v1, v10;
	v4 =	vadd.f32 $5.120000000e+02, v4  }
0xcc: {  	v5 =	vadd.f32 $5.120000000e+02, v5;
	v6 =	vadd.f32 $5.120000000e+02, v6;
	v3 =	vmax.f32 v3, $0.0e+00  }
0xcd: {  	v7 =	vadd.f32 $5.120000000e+02, v7;
	v8 =	vadd.f32 $5.120000000e+02, v8;
	v3 =	vmin.f32 v3, $1.023000000e+03  }
0xce: {  	v9 =	vadd.f32 $5.120000000e+02, v9;
	v11 =	vadd.f32 $5.120000000e+02, v11;
	v3 =	vtrunc.f32 v3  }
0xcf: {  	v4 =	vmax.f32 v4, $0.0e+00;
	v5 =	vmax.f32 v5, $0.0e+00;
	v3 =	vcvt.f32.s32 v3  }
0xd0: {  	v12 =	vld [tilespmem:s24+$0xFFFFFFD0];
	v6 =	vmax.f32 v6, $0.0e+00;
	v7 =	vmax.f32 v7, $0.0e+00;
	v8 =	vmax.f32 v8, $0.0e+00  }
0xd1: {  	v9 =	vmax.f32 v9, $0.0e+00;
	v11 =	vmax.f32 v11, $0.0e+00;
	v10 =	vor.u32 v3, v10;
	v3 =	vld [tilespmem:s24+$0xFFFFFFC0]  }
0xd2: {  	v13 =	vld [tilespmem:s24+$0xFFFFFFE0];
	v4 =	vmin.f32 v4, $1.023000000e+03;
	v14 =	vmin.f32 v5, $1.023000000e+03;
	v15 =	vmin.f32 v6, $1.023000000e+03  }
0xd3: {  	v17 =	vld [tilespmem:s24+$0xFFFFFFF0];
	v5 =	vmin.f32 v11, $1.023000000e+03;
	v7 =	vmin.f32 v7, $1.023000000e+03;
	v8 =	vmin.f32 v8, $1.023000000e+03  }
0xd4: {  	v19 =	vmin.f32 v9, $1.023000000e+03;
	v11 =	vtrunc.f32 v5;
	v18 =	vtrunc.f32 v4;
	v5 =	vld [tilespmem:s24+$0x0]  }
0xd5: {  	v9 =	vshll.u32 v12, $0xA;
	v20 =	vtrunc.f32 v14;
	v14 =	vtrunc.f32 v15;
	v4 =	vld [tilespmem:s24+$0x10]  }
0xd6: {  	v16 =	vtrunc.f32 v7;
	v12 =	vtrunc.f32 v8;
	v6 =	vshll.u32 v3, $0xA;
	v3 =	vld [tilespmem:s24+$0x20]  }
0xd7: {  	v8 =	vcvt.f32.s32 v11;
	v11 =	vshll.u32 v13, $0xA;
	v13 =	vtrunc.f32 v19  }
0xd8: {  	s25 =	simm.s32 $0x0;
	s26 =	simm.s32 $0xC0;
	v15 =	vshll.u32 v17, $0xA;
	v7 =	vcvt.f32.s32 v20;
	[tilespmem:v10+s18+$0x0] =	vst.idx.add.f32.msk $0xffff, v2;
	v10 =	vcvt.f32.s32 v18  }
.LBB2_8:
0xd9: {  	v17 =	vld [tilespmem:s26+$0x30];
	s25 =	sadd.s32 $0x8, s25;
	v14 =	vcvt.f32.s32 v14;
	v16 =	vcvt.f32.s32 v16;
	v5 =	vshll.u32 v5, $0xA  }
0xda: {  	v12 =	vcvt.f32.s32 v12;
	v4 =	vshll.u32 v4, $0xA;
	v13 =	vcvt.f32.s32 v13;
	v18 =	vld [tilespmem:s26+$0xFFFFFFD0];
	p0 =	slt.u32 s25, $0x3F8  }
0xdb: {  	v6 =	vadd.s32 v1, v6;
	v9 =	vadd.s32 v1, v9;
	v3 =	vshll.u32 v3, $0xA;
	v19 =	vld [tilespmem:s26+$0xFFFFFFE0]  }
0xdc: {  	v11 =	vadd.s32 v1, v11;
	v15 =	vadd.s32 v1, v15;
	v5 =	vadd.s32 v1, v5;
	v20 =	vld [tilespmem:s26+$0xFFFFFFF0]  }
0xdd: {  	v6 =	vor.u32 v8, v6;
	v4 =	vadd.s32 v1, v4;
	v3 =	vadd.s32 v1, v3;
	v21 =	vld [tilespmem:s26+$0x0]  }
0xde: {  	v9 =	vor.u32 v10, v9;
	v7 =	vor.u32 v7, v11;
	v8 =	vld [tilespmem:s26+$0x10];
	v17 =	vmul.f32 $6.400000000e+01, v17  }
0xdf: {  	s24 =	sadd.s32 $0x80, s24;
	v15 =	vor.u32 v14, v15;
	v10 =	vmul.f32 $6.400000000e+01, v18;
	v11 =	vld [tilespmem:s26+$0x20];
	v18 =	vor.u32 v16, v5  }
0xe0: {  	v5 =	vmul.f32 $6.400000000e+01, v19;
	v14 =	vld [tilespmem:s24+$0x30];
	v16 =	vadd.f32 $5.120000000e+02, v17;
	v17 =	vor.u32 v12, v4  }
0xe1: {  	v19 =	vor.u32 v13, v3;
	v4 =	vld [tilespmem:s26+$0xFFFFFFC0];
	v10 =	vadd.f32 $5.120000000e+02, v10;
	v12 =	vmul.f32 $6.400000000e+01, v20  }
0xe2: {  	v13 =	vld [tilespmem:s24+$0xFFFFFFC0];
	v3 =	vadd.f32 $5.120000000e+02, v5;
	v5 =	vmul.f32 $6.400000000e+01, v21;
	v16 =	vmax.f32 v16, $0.0e+00  }
0xe3: {  	v20 =	vld [tilespmem:s24+$0xFFFFFFD0];
	v12 =	vadd.f32 $5.120000000e+02, v12;
	v8 =	vmul.f32 $6.400000000e+01, v8;
	v16 =	vmin.f32 v16, $1.023000000e+03  }
0xe4: {  	v21 =	vld [tilespmem:s24+$0xFFFFFFE0];
	v22 =	vadd.f32 $5.120000000e+02, v5;
	v11 =	vmul.f32 $6.400000000e+01, v11;
	v5 =	vtrunc.f32 v16  }
0xe5: {  	v23 =	vld [tilespmem:s24+$0xFFFFFFF0];
	v8 =	vadd.f32 $5.120000000e+02, v8;
	v16 =	vcvt.f32.s32 v5;
	v14 =	vshll.u32 v14, $0xA  }
0xe6: {  	v24 =	vmul.f32 $6.400000000e+01, v4;
	v5 =	vld [tilespmem:s24+$0x0];
	v11 =	vadd.f32 $5.120000000e+02, v11;
	v14 =	vadd.s32 v1, v14  }
0xe7: {  	v10 =	vmax.f32 v10, $0.0e+00;
	v25 =	vmax.f32 v3, $0.0e+00;
	v4 =	vld [tilespmem:s24+$0x10];
	v14 =	vor.u32 v16, v14  }
0xe8: {  	v12 =	vmax.f32 v12, $0.0e+00;
	v22 =	vmax.f32 v22, $0.0e+00;
	v16 =	vadd.f32 $5.120000000e+02, v24;
	v3 =	vld [tilespmem:s24+$0x20]  }
0xe9: {  	v10 =	vmin.f32 v10, $1.023000000e+03;
	v8 =	vmax.f32 v8, $0.0e+00;
	v11 =	vmax.f32 v11, $0.0e+00;
	[tilespmem:v6+s18+$0x0] =	vst.idx.add.f32.msk $0xffff, v2  }
0xea: {  	v12 =	vmin.f32 v12, $1.023000000e+03;
	v6 =	vmax.f32 v16, $0.0e+00;
	v16 =	vmin.f32 v25, $1.023000000e+03;
	[tilespmem:v9+s18+$0x0] =	vst.idx.add.f32.msk $0xffff, v2  }
0xeb: {  	v22 =	vmin.f32 v22, $1.023000000e+03;
	v8 =	vmin.f32 v8, $1.023000000e+03;
	v6 =	vmin.f32 v6, $1.023000000e+03;
	[tilespmem:v7+s18+$0x0] =	vst.idx.add.f32.msk $0xffff, v2  }
.Ltmp3:
0xec: {  	v10 =	vtrunc.f32 v10;
	v24 =	vmin.f32 v11, $1.023000000e+03;
	v7 =	vtrunc.f32 v6;
	[tilespmem:v14+s18+$0x0] =	vst.idx.add.f32.msk $0xffff, v2;
	(pc) =	sbr.rel @p0 .LBB2_8-.Ltmp3, $4  }
0xed: {  	v25 =	vtrunc.f32 v16;
	v6 =	vshll.u32 v13, $0xA;
	v14 =	vtrunc.f32 v12;
	[tilespmem:v15+s18+$0x0] =	vst.idx.add.f32.msk $0xffff, v2  }
0xee: {  	v9 =	vshll.u32 v20, $0xA;
	v16 =	vtrunc.f32 v22;
	v12 =	vtrunc.f32 v8;
	[tilespmem:v18+s18+$0x0] =	vst.idx.add.f32.msk $0xffff, v2  }
0xef: {  	v11 =	vshll.u32 v21, $0xA;
	v13 =	vtrunc.f32 v24;
	v8 =	vcvt.f32.s32 v7;
	[tilespmem:v17+s18+$0x0] =	vst.idx.add.f32.msk $0xffff, v2  }
0xf0: {  	s26 =	sadd.s32 $0x80, s26;
	v10 =	vcvt.f32.s32 v10;
	v7 =	vcvt.f32.s32 v25;
	v15 =	vshll.u32 v23, $0xA;
	[tilespmem:v19+s18+$0x0] =	vst.idx.add.f32.msk $0xffff, v2  }
0xf1: {  	v14 =	vcvt.f32.s32 v14;
	v16 =	vcvt.f32.s32 v16;
	v6 =	vadd.s32 v1, v6  }
0xf2: {  	v5 =	vshll.u32 v5, $0xA;
	v9 =	vadd.s32 v1, v9;
	v6 =	vor.u32 v8, v6  }
0xf3: {  	v11 =	vadd.s32 v1, v11;
	v4 =	vshll.u32 v4, $0xA;
	v9 =	vor.u32 v10, v9  }
0xf4: {  	v3 =	vshll.u32 v3, $0xA;
	v10 =	vadd.s32 v1, v15;
	v7 =	vor.u32 v7, v11  }
0xf5: {  	v8 =	vcvt.f32.s32 v12;
	v5 =	vadd.s32 v1, v5;
	v10 =	vor.u32 v14, v10  }
0xf6: {  	v11 =	vcvt.f32.s32 v13;
	v4 =	vadd.s32 v1, v4;
	v5 =	vor.u32 v16, v5  }
0xf7: {  	v3 =	vadd.s32 v1, v3;
	v4 =	vor.u32 v8, v4;
	[tilespmem:v6+s18+$0x0] =	vst.idx.add.f32.msk $0xffff, v2  }
0xf8: {  	v3 =	vor.u32 v11, v3;
	[tilespmem:v9+s18+$0x0] =	vst.idx.add.f32.msk $0xffff, v2  }
0xf9: {  	[tilespmem:v7+s18+$0x0] =	vst.idx.add.f32.msk $0xffff, v2  }
0xfa: {  	[tilespmem:v10+s18+$0x0] =	vst.idx.add.f32.msk $0xffff, v2  }
0xfb: {  	[tilespmem:v5+s18+$0x0] =	vst.idx.add.f32.msk $0xffff, v2  }
0xfc: {  	[tilespmem:v4+s18+$0x0] =	vst.idx.add.f32.msk $0xffff, v2  }
0xfd: {  	[tilespmem:v3+s18+$0x0] =	vst.idx.add.f32.msk $0xffff, v2  }
0xfe: {  	_ =	swait.ge [sflag:s19], $0x4000  }
0xff: {  	[sflag:s19] =	ssyncset.done $0x0  }
0x100: {  	[sflag:s19] =	ssyncadd.s32 $0xFFFFC000  }
0x101: {  	_ =	swait.ge [sflag:s20], $0x4000  }
0x102: {  	[sflag:s20] =	ssyncset.done $0x0  }
0x103: {  	s0 =	simm.s32 $0x8040;
	[sflag:s20] =	ssyncadd.s32 $0xFFFFC000  }
0x104: {  	v3 =	vld [tilespmem:s0+$0x30]  }
0x105: {  	v4 =	vld [tilespmem:s0+$0xFFFFFFD0]  }
0x106: {  	v5 =	vld [tilespmem:s0+$0xFFFFFFE0]  }
0x107: {  	v6 =	vld [tilespmem:s0+$0xFFFFFFF0]  }
0x108: {  	v7 =	vld [tilespmem:s0+$0x0]  }
0x109: {  	v8 =	vld [tilespmem:s0+$0x10]  }
0x10a: {  	s25 =	simm.s32 $0xC040;
	v9 =	vld [tilespmem:s0+$0x20]  }
0x10b: {  	v10 =	vld [tilespmem:s25+$0x30]  }
0x10c: {  	v11 =	vld [tilespmem:s0+$0xFFFFFFC0]  }
0x10d: {  	v3 =	vmul.f32 $6.400000000e+01, v3;
	v4 =	vmul.f32 $6.400000000e+01, v4  }
0x10e: {  	v5 =	vmul.f32 $6.400000000e+01, v5;
	v6 =	vmul.f32 $6.400000000e+01, v6  }
0x10f: {  	v7 =	vmul.f32 $6.400000000e+01, v7;
	v8 =	vmul.f32 $6.400000000e+01, v8  }
0x110: {  	v9 =	vmul.f32 $6.400000000e+01, v9;
	v10 =	vshll.u32 v10, $0xA;
	v3 =	vadd.f32 $5.120000000e+02, v3  }
0x111: {  	v11 =	vmul.f32 $6.400000000e+01, v11;
	v10 =	vadd.s32 v1, v10;
	v4 =	vadd.f32 $5.120000000e+02, v4  }
0x112: {  	v5 =	vadd.f32 $5.120000000e+02, v5;
	v6 =	vadd.f32 $5.120000000e+02, v6;
	v3 =	vmax.f32 v3, $0.0e+00  }
0x113: {  	v7 =	vadd.f32 $5.120000000e+02, v7;
	v8 =	vadd.f32 $5.120000000e+02, v8;
	v3 =	vmin.f32 v3, $1.023000000e+03  }
0x114: {  	v9 =	vadd.f32 $5.120000000e+02, v9;
	v11 =	vadd.f32 $5.120000000e+02, v11;
	v3 =	vtrunc.f32 v3  }
0x115: {  	v4 =	vmax.f32 v4, $0.0e+00;
	v5 =	vmax.f32 v5, $0.0e+00;
	v3 =	vcvt.f32.s32 v3  }
0x116: {  	v12 =	vld [tilespmem:s25+$0xFFFFFFD0];
	v6 =	vmax.f32 v6, $0.0e+00;
	v7 =	vmax.f32 v7, $0.0e+00;
	v8 =	vmax.f32 v8, $0.0e+00  }
0x117: {  	v9 =	vmax.f32 v9, $0.0e+00;
	v11 =	vmax.f32 v11, $0.0e+00;
	v10 =	vor.u32 v3, v10;
	v3 =	vld [tilespmem:s25+$0xFFFFFFC0]  }
0x118: {  	v13 =	vld [tilespmem:s25+$0xFFFFFFE0];
	v4 =	vmin.f32 v4, $1.023000000e+03;
	v14 =	vmin.f32 v5, $1.023000000e+03;
	v15 =	vmin.f32 v6, $1.023000000e+03  }
0x119: {  	v17 =	vld [tilespmem:s25+$0xFFFFFFF0];
	v5 =	vmin.f32 v11, $1.023000000e+03;
	v7 =	vmin.f32 v7, $1.023000000e+03;
	v8 =	vmin.f32 v8, $1.023000000e+03  }
0x11a: {  	v19 =	vmin.f32 v9, $1.023000000e+03;
	v11 =	vtrunc.f32 v5;
	v18 =	vtrunc.f32 v4;
	v5 =	vld [tilespmem:s25+$0x0]  }
0x11b: {  	v9 =	vshll.u32 v12, $0xA;
	v20 =	vtrunc.f32 v14;
	v14 =	vtrunc.f32 v15;
	v4 =	vld [tilespmem:s25+$0x10]  }
0x11c: {  	v16 =	vtrunc.f32 v7;
	v12 =	vtrunc.f32 v8;
	v6 =	vshll.u32 v3, $0xA;
	v3 =	vld [tilespmem:s25+$0x20]  }
0x11d: {  	v8 =	vcvt.f32.s32 v11;
	v11 =	vshll.u32 v13, $0xA;
	v13 =	vtrunc.f32 v19  }
0x11e: {  	s26 =	simm.s32 $0x0;
	s28 =	simm.s32 $0x80C0;
	v15 =	vshll.u32 v17, $0xA;
	v7 =	vcvt.f32.s32 v20;
	[tilespmem:v10+s18+$0x0] =	vst.idx.add.f32.msk $0xffff, v2;
	v10 =	vcvt.f32.s32 v18  }
.LBB2_10:
0x11f: {  	v17 =	vld [tilespmem:s28+$0x30];
	s26 =	sadd.s32 $0x8, s26;
	v14 =	vcvt.f32.s32 v14;
	v16 =	vcvt.f32.s32 v16;
	v5 =	vshll.u32 v5, $0xA  }
0x120: {  	v12 =	vcvt.f32.s32 v12;
	v4 =	vshll.u32 v4, $0xA;
	v13 =	vcvt.f32.s32 v13;
	v18 =	vld [tilespmem:s28+$0xFFFFFFD0];
	p0 =	slt.u32 s26, $0x3F8  }
0x121: {  	v6 =	vadd.s32 v1, v6;
	v9 =	vadd.s32 v1, v9;
	v3 =	vshll.u32 v3, $0xA;
	v19 =	vld [tilespmem:s28+$0xFFFFFFE0]  }
0x122: {  	v11 =	vadd.s32 v1, v11;
	v15 =	vadd.s32 v1, v15;
	v5 =	vadd.s32 v1, v5;
	v20 =	vld [tilespmem:s28+$0xFFFFFFF0]  }
0x123: {  	v6 =	vor.u32 v8, v6;
	v4 =	vadd.s32 v1, v4;
	v3 =	vadd.s32 v1, v3;
	v21 =	vld [tilespmem:s28+$0x0]  }
0x124: {  	v9 =	vor.u32 v10, v9;
	v7 =	vor.u32 v7, v11;
	v8 =	vld [tilespmem:s28+$0x10];
	v17 =	vmul.f32 $6.400000000e+01, v17  }
0x125: {  	s25 =	sadd.s32 $0x80, s25;
	v15 =	vor.u32 v14, v15;
	v10 =	vmul.f32 $6.400000000e+01, v18;
	v11 =	vld [tilespmem:s28+$0x20];
	v18 =	vor.u32 v16, v5  }
0x126: {  	v5 =	vmul.f32 $6.400000000e+01, v19;
	v14 =	vld [tilespmem:s25+$0x30];
	v16 =	vadd.f32 $5.120000000e+02, v17;
	v17 =	vor.u32 v12, v4  }
0x127: {  	v19 =	vor.u32 v13, v3;
	v4 =	vld [tilespmem:s28+$0xFFFFFFC0];
	v10 =	vadd.f32 $5.120000000e+02, v10;
	v12 =	vmul.f32 $6.400000000e+01, v20  }
0x128: {  	v13 =	vld [tilespmem:s25+$0xFFFFFFC0];
	v3 =	vadd.f32 $5.120000000e+02, v5;
	v5 =	vmul.f32 $6.400000000e+01, v21;
	v16 =	vmax.f32 v16, $0.0e+00  }
0x129: {  	v20 =	vld [tilespmem:s25+$0xFFFFFFD0];
	v12 =	vadd.f32 $5.120000000e+02, v12;
	v8 =	vmul.f32 $6.400000000e+01, v8;
	v16 =	vmin.f32 v16, $1.023000000e+03  }
0x12a: {  	v21 =	vld [tilespmem:s25+$0xFFFFFFE0];
	v22 =	vadd.f32 $5.120000000e+02, v5;
	v11 =	vmul.f32 $6.400000000e+01, v11;
	v5 =	vtrunc.f32 v16  }
0x12b: {  	v23 =	vld [tilespmem:s25+$0xFFFFFFF0];
	v8 =	vadd.f32 $5.120000000e+02, v8;
	v16 =	vcvt.f32.s32 v5;
	v14 =	vshll.u32 v14, $0xA  }
0x12c: {  	v24 =	vmul.f32 $6.400000000e+01, v4;
	v5 =	vld [tilespmem:s25+$0x0];
	v11 =	vadd.f32 $5.120000000e+02, v11;
	v14 =	vadd.s32 v1, v14  }
0x12d: {  	v10 =	vmax.f32 v10, $0.0e+00;
	v25 =	vmax.f32 v3, $0.0e+00;
	v4 =	vld [tilespmem:s25+$0x10];
	v14 =	vor.u32 v16, v14  }
0x12e: {  	v12 =	vmax.f32 v12, $0.0e+00;
	v22 =	vmax.f32 v22, $0.0e+00;
	v16 =	vadd.f32 $5.120000000e+02, v24;
	v3 =	vld [tilespmem:s25+$0x20]  }
0x12f: {  	v10 =	vmin.f32 v10, $1.023000000e+03;
	v8 =	vmax.f32 v8, $0.0e+00;
	v11 =	vmax.f32 v11, $0.0e+00;
	[tilespmem:v6+s18+$0x0] =	vst.idx.add.f32.msk $0xffff, v2  }
0x130: {  	v12 =	vmin.f32 v12, $1.023000000e+03;
	v6 =	vmax.f32 v16, $0.0e+00;
	v16 =	vmin.f32 v25, $1.023000000e+03;
	[tilespmem:v9+s18+$0x0] =	vst.idx.add.f32.msk $0xffff, v2  }
0x131: {  	v22 =	vmin.f32 v22, $1.023000000e+03;
	v8 =	vmin.f32 v8, $1.023000000e+03;
	v6 =	vmin.f32 v6, $1.023000000e+03;
	[tilespmem:v7+s18+$0x0] =	vst.idx.add.f32.msk $0xffff, v2  }
.Ltmp4:
0x132: {  	s24 =	simm.s32 $0x0;
	v10 =	vtrunc.f32 v10;
	v24 =	vmin.f32 v11, $1.023000000e+03;
	v7 =	vtrunc.f32 v6;
	[tilespmem:v14+s18+$0x0] =	vst.idx.add.f32.msk $0xffff, v2;
	(pc) =	sbr.rel @p0 .LBB2_10-.Ltmp4, $4  }
0x133: {  	v25 =	vtrunc.f32 v16;
	v6 =	vshll.u32 v13, $0xA;
	v14 =	vtrunc.f32 v12;
	[tilespmem:v15+s18+$0x0] =	vst.idx.add.f32.msk $0xffff, v2  }
0x134: {  	v9 =	vshll.u32 v20, $0xA;
	v16 =	vtrunc.f32 v22;
	v12 =	vtrunc.f32 v8;
	[tilespmem:v18+s18+$0x0] =	vst.idx.add.f32.msk $0xffff, v2  }
0x135: {  	v11 =	vshll.u32 v21, $0xA;
	v13 =	vtrunc.f32 v24;
	v8 =	vcvt.f32.s32 v7;
	[tilespmem:v17+s18+$0x0] =	vst.idx.add.f32.msk $0xffff, v2  }
0x136: {  	s28 =	sadd.s32 $0x80, s28;
	v10 =	vcvt.f32.s32 v10;
	v7 =	vcvt.f32.s32 v25;
	v15 =	vshll.u32 v23, $0xA;
	[tilespmem:v19+s18+$0x0] =	vst.idx.add.f32.msk $0xffff, v2  }
0x137: {  	v14 =	vcvt.f32.s32 v14;
	v16 =	vcvt.f32.s32 v16;
	v6 =	vadd.s32 v1, v6  }
0x138: {  	v5 =	vshll.u32 v5, $0xA;
	v9 =	vadd.s32 v1, v9;
	v6 =	vor.u32 v8, v6  }
0x139: {  	v11 =	vadd.s32 v1, v11;
	v4 =	vshll.u32 v4, $0xA;
	v9 =	vor.u32 v10, v9  }
0x13a: {  	v3 =	vshll.u32 v3, $0xA;
	v10 =	vadd.s32 v1, v15;
	v7 =	vor.u32 v7, v11  }
0x13b: {  	v8 =	vcvt.f32.s32 v12;
	v5 =	vadd.s32 v1, v5;
	v10 =	vor.u32 v14, v10  }
0x13c: {  	v11 =	vcvt.f32.s32 v13;
	v4 =	vadd.s32 v1, v4;
	v5 =	vor.u32 v16, v5  }
0x13d: {  	v3 =	vadd.s32 v1, v3;
	v4 =	vor.u32 v8, v4;
	[tilespmem:v6+s18+$0x0] =	vst.idx.add.f32.msk $0xffff, v2  }
0x13e: {  	v3 =	vor.u32 v11, v3;
	[tilespmem:v9+s18+$0x0] =	vst.idx.add.f32.msk $0xffff, v2  }
0x13f: {  	[tilespmem:v7+s18+$0x0] =	vst.idx.add.f32.msk $0xffff, v2  }
0x140: {  	s0 =	simm.s32 $0x0;
	[tilespmem:v10+s18+$0x0] =	vst.idx.add.f32.msk $0xffff, v2  }
0x141: {  	s25 =	sand.u32 $0x60, s24;
	s26 =	sand.u32 $0x3FFFFF80, s0;
	[tilespmem:v5+s18+$0x0] =	vst.idx.add.f32.msk $0xffff, v2  }
0x142: {  	s28 =	sand.u32 $0xFFFFFF80, s0;
	s14 =	sadd.s32 $0x10000, s26;
	s26 =	sor.u32 $0x10, s25;
	[tilespmem:v4+s18+$0x0] =	vst.idx.add.f32.msk $0xffff, v2  }
0x143: {  	s29 =	sadd.s32 $0x10800, s28;
	s30 =	sor.u32 s26, s14;
	[tilespmem:v3+s18+$0x0] =	vst.idx.add.f32.msk $0xffff, v2  }
0x144: {  	v3 =	vld [tilespmem:s30+$0x0];
	s30 =	sor.u32 s26, s29  }
0x145: {  	s31 =	sadd.s32 $0x11000, s28;
	s0 =	sor.u32 s25, s14;
	v4 =	vld [tilespmem:s30+$0x0]  }
0x146: {  	s21 =	sor.u32 s26, s31;
	v5 =	vld [tilespmem:s0+$0x0]  }
0x147: {  	s29 =	sor.u32 s25, s29;
	v6 =	vld [tilespmem:s21+$0x0];
	s30 =	sadd.s32 $0x11800, s28  }
0x148: {  	v7 =	vld [tilespmem:s29+$0x0];
	s1 =	sor.u32 s26, s30  }
0x149: {  	s29 =	sor.u32 s25, s31;
	s31 =	sadd.s32 $0x12000, s28;
	v8 =	vld [tilespmem:s1+$0x0]  }
0x14a: {  	v9 =	vld [tilespmem:s29+$0x0];
	s13 =	sor.u32 s26, s31;
	v3 =	vadd.f32 v4, v3  }
0x14b: {  	s29 =	sor.u32 s25, s30;
	s30 =	sadd.s32 $0x12800, s28;
	v4 =	vld [tilespmem:s13+$0x0]  }
0x14c: {  	v10 =	vld [tilespmem:s29+$0x0];
	s14 =	sor.u32 s26, s30;
	v3 =	vadd.f32 v6, v3  }
0x14d: {  	s29 =	sor.u32 s25, s31;
	s31 =	sadd.s32 $0x13000, s28;
	v5 =	vadd.f32 v7, v5;
	v6 =	vld [tilespmem:s14+$0x0]  }
0x14e: {  	s21 =	sor.u32 s26, s31;
	v7 =	vld [tilespmem:s29+$0x0];
	v3 =	vadd.f32 v8, v3  }
0x14f: {  	s29 =	sor.u32 s25, s30;
	s30 =	sadd.s32 $0x13800, s28;
	v5 =	vadd.f32 v9, v5;
	v8 =	vld [tilespmem:s21+$0x0]  }
0x150: {  	s1 =	sor.u32 s26, s30;
	v9 =	vld [tilespmem:s29+$0x0];
	v3 =	vadd.f32 v4, v3  }
0x151: {  	s29 =	sor.u32 s25, s31;
	s31 =	sadd.s32 $0x14000, s28;
	v5 =	vadd.f32 v10, v5;
	v4 =	vld [tilespmem:s1+$0x0]  }
0x152: {  	s13 =	sor.u32 s26, s31;
	v10 =	vld [tilespmem:s29+$0x0];
	v3 =	vadd.f32 v6, v3  }
0x153: {  	s29 =	sor.u32 s25, s30;
	s30 =	sadd.s32 $0x14800, s28;
	v5 =	vadd.f32 v7, v5;
	v6 =	vld [tilespmem:s13+$0x0]  }
0x154: {  	s14 =	sor.u32 s26, s30;
	v7 =	vld [tilespmem:s29+$0x0];
	v3 =	vadd.f32 v8, v3  }
0x155: {  	s29 =	sor.u32 s25, s31;
	s31 =	sadd.s32 $0x15000, s28;
	v5 =	vadd.f32 v9, v5;
	v8 =	vld [tilespmem:s14+$0x0]  }
0x156: {  	s21 =	sor.u32 s26, s31;
	v9 =	vld [tilespmem:s29+$0x0];
	v3 =	vadd.f32 v4, v3  }
0x157: {  	s29 =	sor.u32 s25, s30;
	s30 =	sadd.s32 $0x15800, s28;
	v5 =	vadd.f32 v10, v5;
	v4 =	vld [tilespmem:s21+$0x0]  }
0x158: {  	s1 =	sor.u32 s26, s30;
	v10 =	vld [tilespmem:s29+$0x0];
	v3 =	vadd.f32 v6, v3  }
0x159: {  	s29 =	sor.u32 s25, s31;
	s31 =	sadd.s32 $0x16000, s28;
	v11 =	vld [tilespmem:s1+$0x0];
	v6 =	vadd.f32 v7, v5  }
0x15a: {  	s13 =	sor.u32 s26, s31;
	v5 =	vld [tilespmem:s29+$0x0];
	v3 =	vadd.f32 v8, v3  }
0x15b: {  	s29 =	sor.u32 s25, s30;
	s30 =	sadd.s32 $0x16800, s28;
	v7 =	vld [tilespmem:s13+$0x0];
	v8 =	vadd.f32 v9, v6  }
0x15c: {  	s21 =	sadd.s32 $0x17000, s28;
	s14 =	sor.u32 s26, s30;
	v6 =	vld [tilespmem:s29+$0x0];
	v63 =	vadd.f32 v4, v3  }
0x15d: {  	s1 =	sor.u32 s25, s31;
	s0 =	sor.u32 s26, s21;
	v3 =	vld [tilespmem:s14+$0x0];
	v9 =	vadd.f32 v10, v8  }
0x15e: {  	s31 =	sor.u32 s25, s30;
	s30 =	sor.u32 s25, s21;
	s29 =	simm.s32 $0x0;
	v4 =	vld [tilespmem:s1+$0x0];
	v8 =	vadd.f32 v11, v63  }
.LBB2_12:
0x15f: {  	s29 =	sadd.s32 $0x2, s29;
	v5 =	vadd.f32 v5, v9;
	s1 =	sadd.s32 $0x17800, s28;
	v9 =	vld [tilespmem:s0+$0x0]  }
0x160: {  	s24 =	sadd.s32 $0x20, s24;
	s0 =	sshll.u32 s29, $0x4;
	v10 =	vld [tilespmem:s31+$0x0];
	v7 =	vadd.f32 v7, v8;
	s21 =	sor.u32 s26, s1  }
0x161: {  	s31 =	sand.u32 $0x60, s24;
	s1 =	sor.u32 s25, s1;
	s13 =	sand.u32 $0x3FFFFF80, s0;
	v5 =	vadd.f32 v6, v5;
	v6 =	vld [tilespmem:s21+$0x0]  }
0x162: {  	s0 =	sand.u32 $0xFFFFFF80, s0;
	s21 =	sor.u32 $0x10, s31;
	s13 =	sadd.s32 $0x10000, s13;
	v8 =	vld [tilespmem:s30+$0x0];
	v3 =	vadd.f32 v3, v7  }
0x163: {  	s14 =	sadd.s32 $0x10800, s0;
	s30 =	sor.u32 s31, s13;
	s13 =	sor.u32 s21, s13;
	v4 =	vadd.f32 v4, v5;
	v5 =	vld [tilespmem:s1+$0x0]  }
0x164: {  	p0 =	slt.u32 s29, $0x7E;
	s1 =	sor.u32 s31, s14;
	v7 =	vld [tilespmem:s13+$0x0];
	s13 =	sor.u32 s21, s14;
	v3 =	vadd.f32 v9, v3  }
0x165: {  	s14 =	sadd.s32 $0x11000, s0;
	v9 =	vld [tilespmem:s13+$0x0];
	v4 =	vadd.f32 v10, v4  }
0x166: {  	s28 =	sadd.s32 $0x18000, s28;
	s13 =	sor.u32 s31, s14;
	s14 =	sor.u32 s21, s14;
	v10 =	vld [tilespmem:s30+$0x0];
	v3 =	vadd.f32 v6, v3  }
0x167: {  	s30 =	sadd.s32 $0x11800, s0;
	v6 =	vld [tilespmem:s14+$0x0];
	v4 =	vadd.f32 v8, v4;
	s14 =	sor.u32 s25, s28;
	s25 =	sor.u32 s26, s28  }
0x168: {  	s26 =	sor.u32 s21, s30;
	v8 =	vld [tilespmem:s1+$0x0];
	s1 =	sor.u32 s31, s30;
	[tilespmem:s25+$0x0] =	vst v3;
	s25 =	smov.u32 s31  }
0x169: {  	s28 =	smov.u32 s0;
	s30 =	sadd.s32 $0x12000, s0;
	v3 =	vld [tilespmem:s26+$0x0];
	v4 =	vadd.f32 v5, v4;
	s26 =	smov.u32 s21  }
0x16a: {  	s0 =	sor.u32 s25, s30;
	v5 =	vld [tilespmem:s13+$0x0];
	v7 =	vadd.f32 v9, v7;
	s13 =	sor.u32 s26, s30  }
0x16b: {  	s21 =	sadd.s32 $0x12800, s28;
	v9 =	vld [tilespmem:s13+$0x0];
	[tilespmem:s14+$0x0] =	vst v4  }
0x16c: {  	s13 =	sor.u32 s26, s21;
	v4 =	vld [tilespmem:s1+$0x0];
	s1 =	sor.u32 s25, s21;
	v6 =	vadd.f32 v6, v7  }
0x16d: {  	s14 =	sadd.s32 $0x13000, s28;
	v7 =	vadd.f32 v8, v10;
	v8 =	vld [tilespmem:s13+$0x0]  }
0x16e: {  	s13 =	sor.u32 s26, s14;
	v10 =	vld [tilespmem:s0+$0x0];
	s0 =	sor.u32 s25, s14;
	v3 =	vadd.f32 v3, v6  }
0x16f: {  	s14 =	sadd.s32 $0x13800, s28;
	v5 =	vadd.f32 v5, v7;
	v6 =	vld [tilespmem:s13+$0x0]  }
0x170: {  	s13 =	sor.u32 s26, s14;
	v7 =	vld [tilespmem:s1+$0x0];
	s1 =	sor.u32 s25, s14;
	v3 =	vadd.f32 v9, v3  }
0x171: {  	s14 =	sadd.s32 $0x14000, s28;
	v4 =	vadd.f32 v4, v5;
	v5 =	vld [tilespmem:s13+$0x0]  }
0x172: {  	s13 =	sor.u32 s26, s14;
	v9 =	vld [tilespmem:s0+$0x0];
	s0 =	sor.u32 s25, s14;
	v3 =	vadd.f32 v8, v3  }
0x173: {  	s14 =	sadd.s32 $0x14800, s28;
	v4 =	vadd.f32 v10, v4;
	v8 =	vld [tilespmem:s13+$0x0]  }
0x174: {  	s13 =	sor.u32 s26, s14;
	v10 =	vld [tilespmem:s1+$0x0];
	s1 =	sor.u32 s25, s14;
	v3 =	vadd.f32 v6, v3  }
0x175: {  	s14 =	sadd.s32 $0x15000, s28;
	v4 =	vadd.f32 v7, v4;
	v6 =	vld [tilespmem:s13+$0x0]  }
0x176: {  	s13 =	sor.u32 s26, s14;
	v7 =	vld [tilespmem:s0+$0x0];
	s0 =	sor.u32 s25, s14;
	v3 =	vadd.f32 v5, v3  }
0x177: {  	s14 =	sadd.s32 $0x15800, s28;
	v4 =	vadd.f32 v9, v4;
	v9 =	vld [tilespmem:s13+$0x0]  }
0x178: {  	s13 =	sor.u32 s26, s14;
	v11 =	vld [tilespmem:s1+$0x0];
	s1 =	sor.u32 s25, s14;
	v3 =	vadd.f32 v8, v3  }
0x179: {  	s14 =	sadd.s32 $0x16000, s28;
	v4 =	vadd.f32 v10, v4;
	v8 =	vld [tilespmem:s13+$0x0]  }
.Ltmp5:
0x17a: {  	s13 =	sor.u32 s26, s14;
	v5 =	vld [tilespmem:s0+$0x0];
	s0 =	sor.u32 s25, s14;
	v3 =	vadd.f32 v6, v3;
	(pc) =	sbr.rel @p0 .LBB2_12-.Ltmp5, $4  }
0x17b: {  	s14 =	sadd.s32 $0x16800, s28;
	v4 =	vadd.f32 v7, v4;
	v7 =	vld [tilespmem:s13+$0x0]  }
0x17c: {  	s31 =	sor.u32 s25, s14;
	v6 =	vld [tilespmem:s1+$0x0];
	v10 =	vadd.f32 v9, v3;
	s1 =	sor.u32 s26, s14  }
0x17d: {  	s13 =	sadd.s32 $0x17000, s28;
	v9 =	vadd.f32 v11, v4;
	v3 =	vld [tilespmem:s1+$0x0]  }
0x17e: {  	s30 =	sor.u32 s25, s13;
	v4 =	vld [tilespmem:s0+$0x0];
	v8 =	vadd.f32 v8, v10;
	s0 =	sor.u32 s26, s13  }
0x17f: {  	v5 =	vadd.f32 v5, v9  }
0x180: {  	v59 =	vld [tilespmem:s31+$0x0]  }
0x181: {  	s1 =	sadd.s32 $0x17800, s28;
	v10 =	vld [tilespmem:s0+$0x0];
	v5 =	vadd.f32 v6, v5  }
0x182: {  	v61 =	vld [tilespmem:s30+$0x0];
	v60 =	vadd.f32 v7, v8;
	s24 =	sor.u32 s26, s1  }
0x183: {  	s1 =	sor.u32 s25, s1;
	v62 =	vld [tilespmem:s24+$0x0];
	v4 =	vadd.f32 v4, v5  }
0x184: {  	v63 =	vld [tilespmem:s1+$0x0];
	v3 =	vadd.f32 v3, v60  }
0x185: {  	v4 =	vadd.f32 v59, v4  }
0x186: {  	v3 =	vadd.f32 v10, v3  }
0x187: {  	v4 =	vadd.f32 v61, v4  }
0x188: {  	s29 =	sadd.s32 $0x18000, s28;
	v3 =	vadd.f32 v62, v3  }
0x189: {  	s23 =	sadd.s32 $0x1, s23;
	s30 =	sor.u32 s26, s29;
	v4 =	vadd.f32 v63, v4  }
0x18a: {  	s0 =	sor.u32 s25, s29;
	p0 =	sne.s32 s23, s12;
	[tilespmem:s30+$0x0] =	vst v3  }
.Ltmp6:
0x18b: {  	s31 =	simm.s32 $0x18000;
	[tilespmem:s0+$0x0] =	vst v4;
	(pc) =	sbr.rel @p0 .LBB2_1-.Ltmp6, $4  }
0x18c: {  	[hbm4b:s11+s2] =	stream.linear.scatter [tilespmem:s31], [sflag:$0x5], $0x800, $0x38;
	[tilespmem:$0x18800] =	vst v63  }
0x18d: {  	_ =	swait.ge [sflag:s22], $0x800  }
0x18e: {  	[sflag:s22] =	ssyncset.done $0x0  }
0x18f: {  	s13 =	simm.s32 $0x8000;
	s1 =	simm.s32 $0x4000;
	[sflag:s22] =	ssyncadd.s32 $0xFFFFF800  }
0x190: {  	_ =	sfence.sel $0x180000  }
0x191: {  	[bflag:$0x0] =	sbarrier.arrive $0xFFFF  }
0x192: {  	_ =	strace $0x90000047  }
0x193: {  	s0 =	stileid.u32;
	[bflag:$0x2] =	sbarrier.arrive $0xFFFF  }
0x194: {  	p0 =	sne.s32 s0, $0x0;
	s0 =	rddreg [dreg:$0x3]  }
0x195: {  	s0 =	sadd.s32 @!p0 $0x100000, s0  }
0x196: {  	[sflag:s0] =	ssyncadd.tile.s32 @!p0 $0x1;
	_ =	shalt  }
.Lfunc_end2:
_tile_overlayer_lowered:
.L_overlay_start_2:
0x197: {  	(tag) =	ssettag $0x2  }
0x198: {  	s0 =	rddreg [dreg:$0x0];
	s2 =	stileid.u32  }
0x199: {  	s1 =	rddreg [dreg:$0x1];
	p0 =	sne.s32 s2, $0x0  }
0x19a: {  	s3 =	rddreg [dreg:$0x2];
	[bflag:$0x3] =	sbarrier.arrive $0xFFFF;
	s2 =	simm.s32 @!p0 $0x1C05  }
0x19b: {  	[timem:s3], [sflag:s2] =	dma.local @!p0 [hbm:s0], s1  }
0x19c: {  	s0 =	simm.s32 @!p0 $0x5  }
0x19d: {  	_ =	swait.ge @!p0 [sflag:s0], s1  }
0x19e: {  	s1 =	ssub.s32 @!p0 $0x0, s1;
	[sflag:s0] =	ssyncset.done @!p0 $0x0  }
0x19f: {  	[sflag:s0] =	ssyncadd.s32 @!p0 s1  }
0x1a0: {  	[bflag:$0x3] =	sbarrier.arrive $0xFFFF  }
0x1a1: {  	_ =	shalt  }

</sc_bundles>
